<compile_context>
chip_gen: v7x
topology: tpu7x:2x2x1
jax: 0.10.2.dev20260603
libtpu: 0.0.44.dev20260713+nightly
codegen_flags: <defaults>
</compile_context>

<pallas_src>
import functools

import jax
import jax.numpy as jnp
from jax import lax
from jax.experimental import pallas as pl
from jax.experimental.pallas import tpu as pltpu
from jax.experimental.pallas import tpu_sc as plsc

_N = 100000
_CIN = 16
_COUT = 16
_KVOL = 27
_NW = 32
_BW = 3200
_NP = _NW * _BW
_ZROW = _N
_BN = 6400
_BC = 800
_NCH = _BW // _BC
_GW = 512
_NZ = 128
_NF = _N + _NZ


_NH = 2
_NPH = _NP // _NH
_BWH = _NPH // _NW
_NCHH = _BWH // _BC
_NKCH = _KVOL * _NCHH


def _make_sc_gather(h):
    def body(feats_hbm, kmap_hbm, mask_hbm, g_hbm,
             kv0, kv1, mv0, mv1, iv0, iv1, buf0, buf1, fsh,
             skm0, skm1, sg0, sg1, sw0, sw1):
        kvs, mvs, ivs, bufs = (kv0, kv1), (mv0, mv1), (iv0, iv1), (buf0, buf1)
        skms, sgs, sws = (skm0, skm1), (sg0, sg1), (sw0, sw1)
        sid = lax.axis_index("s")
        wid = sid * 2 + lax.axis_index("c")
        base = wid * _BWH
        zv = _ZROW + lax.iota(jnp.int32, 16) * 8 + (wid % 8)

        @pl.when(sid == 0)
        def _():
            pltpu.sync_copy(feats_hbm, fsh)

        plsc.subcore_barrier()

        def rowbase(kc):
            return (kc // _NCHH) * _NP + h * _NPH + base + (kc % _NCHH) * _BC

        def gslice(kc):
            cb = base + (kc % _NCHH) * _BC
            return g_hbm.at[pl.ds(cb, _BC), pl.ds((kc // _NCHH) * _CIN, _CIN)]

        def issue_km(kc, b):
            pltpu.async_copy(kmap_hbm.at[pl.ds(rowbase(kc), _BC)], kvs[b], skms[b])
            pltpu.async_copy(mask_hbm.at[pl.ds(rowbase(kc), _BC)], mvs[b], skms[b])

        def wait_km(b):
            pltpu.make_async_copy(kmap_hbm.at[pl.ds(0, _BC)], kvs[b], skms[b]).wait()
            pltpu.make_async_copy(mask_hbm.at[pl.ds(0, _BC)], mvs[b], skms[b]).wait()

        issue_km(0, 0)

        def loop_body(i2, c):
            for b in (0, 1):
                kc = i2 * 2 + b
                nb = 1 - b

                @pl.when(kc >= 1)
                def _():
                    pltpu.make_async_copy(fsh.at[ivs[nb]], bufs[nb], sgs[nb]).wait()
                    pltpu.async_copy(bufs[nb], gslice(kc - 1), sws[nb])

                @pl.when(kc + 1 < _NKCH)
                def _():
                    issue_km(kc + 1, nb)

                wait_km(b)

                def g_body(g, cc):
                    s = pl.ds(g * 16, 16)
                    ivs[b][s] = jnp.where(mvs[b][s] != 0, kvs[b][s], zv)
                    return cc

                lax.fori_loop(0, _BC // 16, g_body, 0)

                @pl.when(kc >= 2)
                def _():
                    pltpu.make_async_copy(bufs[b], gslice(kc - 2), sws[b]).wait()

                pltpu.async_copy(fsh.at[ivs[b]], bufs[b], sgs[b])
            return c

        lax.fori_loop(0, _NKCH // 2, loop_body, 0)

        pltpu.make_async_copy(fsh.at[ivs[1]], bufs[1], sgs[1]).wait()
        pltpu.async_copy(bufs[1], gslice(_NKCH - 1), sws[1])
        pltpu.make_async_copy(bufs[0], gslice(_NKCH - 2), sws[0]).wait()
        pltpu.make_async_copy(bufs[1], gslice(_NKCH - 1), sws[1]).wait()

    return functools.partial(
        pl.kernel,
        out_type=jax.ShapeDtypeStruct((_NPH, _GW), jnp.float32),
        mesh=plsc.VectorSubcoreMesh(core_axis_name="c", subcore_axis_name="s"),
        scratch_types=[
            pltpu.VMEM((_BC,), jnp.int32),
            pltpu.VMEM((_BC,), jnp.int32),
            pltpu.VMEM((_BC,), jnp.int32),
            pltpu.VMEM((_BC,), jnp.int32),
            pltpu.VMEM((_BC,), jnp.int32),
            pltpu.VMEM((_BC,), jnp.int32),
            pltpu.VMEM((_BC, _CIN), jnp.float32),
            pltpu.VMEM((_BC, _CIN), jnp.float32),
            pltpu.VMEM_SHARED((_NF, _CIN), jnp.float32),
            pltpu.SemaphoreType.DMA,
            pltpu.SemaphoreType.DMA,
            pltpu.SemaphoreType.DMA,
            pltpu.SemaphoreType.DMA,
            pltpu.SemaphoreType.DMA,
            pltpu.SemaphoreType.DMA,
        ],
        compiler_params=pltpu.CompilerParams(use_tc_tiling_on_sc=False),
    )(body)


_sc_gathers = [_make_sc_gather(h) for h in range(_NH)]


_GU = _KVOL * _CIN


def _tc_reduce_body(g_ref, w_ref, b_ref, o_ref):
    o_ref[...] = jnp.broadcast_to(b_ref[...], (_BN, _COUT)) + jnp.dot(
        g_ref[:, :_GU], w_ref[...], preferred_element_type=jnp.float32)


_tc_reduce = pl.pallas_call(
    _tc_reduce_body,
    grid=(_NPH // _BN,),
    in_specs=[
        pl.BlockSpec((_BN, _GW), lambda n: (n, 0)),
        pl.BlockSpec((_GU, _COUT), lambda n: (0, 0)),
        pl.BlockSpec((1, _COUT), lambda n: (0, 0)),
    ],
    out_specs=pl.BlockSpec((_BN, _COUT), lambda n: (n, 0)),
    out_shape=jax.ShapeDtypeStruct((_NPH, _COUT), jnp.float32),
)


def kernel(feats, kmap, mask, weight, bias):
    feats_pad = jnp.zeros((_NF, _CIN), jnp.float32).at[:_N].set(feats)
    kmap1 = jnp.pad(kmap.astype(jnp.int32), ((0, 0), (0, _NP - _N))).reshape(-1)
    mask1 = jnp.pad(mask.astype(jnp.int32), ((0, 0), (0, _NP - _N))).reshape(-1)
    wflat = weight.reshape(_KVOL * _CIN, _COUT)
    bias2 = bias.reshape(1, _COUT)
    outs = [_tc_reduce(_sc_gathers[h](feats_pad, kmap1, mask1), wflat, bias2)
            for h in range(_NH)]
    return jnp.concatenate(outs, axis=0)[:_N]

# --- scband reference (transcript-rebuilt; emitter-appended) ---
"""Pipeline reference for scband-sparse-conv3-dbase-17317308137881 (READ-ONLY COPY).

The authoritative reference and input builder live on the scoring server;
editing this copy changes nothing except your own understanding.
"""

import jax, jax.numpy as jnp
import numpy as np
import math

N = 100000
CIN = 16
COUT = 16
KVOL = 27  # 3x3x3 kernel


def setup_inputs(seed: int = 0) -> dict:
    key = jax.random.key(seed)
    k1, k2, k3, k4, k5 = jax.random.split(key, 5)
    feats = jax.random.normal(k1, (N, CIN), dtype=jnp.float32)
    # kernel map: for each kernel offset k and output voxel i, index of the
    # input voxel contributing at that offset (submanifold: out coords == in coords)
    kmap = jax.random.randint(k2, (KVOL, N), 0, N, dtype=jnp.int64)
    # validity mask: whether the neighbor at that offset exists in the sparse grid
    mask = jax.random.randint(k3, (KVOL, N), 0, 2).astype(bool)
    stdv = 1.0 / math.sqrt(CIN * KVOL)
    weight = jax.random.uniform(k4, (KVOL, CIN, COUT), minval=-stdv, maxval=stdv, dtype=jnp.float32)
    bias = jax.random.uniform(k5, (COUT,), minval=-stdv, maxval=stdv, dtype=jnp.float32)
    return {"feats": feats, "kmap": kmap, "mask": mask, "weight": weight, "bias": bias}


def reference(feats, kmap, mask, weight, bias):
    # Submanifold sparse 3D conv as gather -> per-offset matmul -> accumulate.
    # out[i] = bias + sum_k mask[k,i] * feats[kmap[k,i]] @ weight[k]
    gathered = jnp.take(feats, kmap, axis=0)            # [KVOL, N, CIN]
    gathered = gathered * mask[..., None].astype(feats.dtype)
    out = jnp.einsum('kni,kio->no', gathered, weight)   # [N, COUT]
    out = out + bias
    return out

if __name__ == "__main__":
    import jax
    _d = setup_inputs()
    print(jax.jit(kernel)(*tuple(_d.values())))

</pallas_src>

<mosaic_0001>
#map = affine_map<(d0, d1) -> (0, 0)>
#map1 = affine_map<(d0, d1) -> (0)>
module attributes {stable_mosaic.version = 14 : i64} {
  func.func @body(%arg0: i32, %arg1: i32, %arg2: memref<100128x16xf32, #tpu.memory_space<hbm>>, %arg3: memref<2764800xi32, #tpu.memory_space<hbm>>, %arg4: memref<2764800xi32, #tpu.memory_space<hbm>>, %arg5: memref<51200x512xf32, #tpu.memory_space<hbm>>, %arg6: memref<800xi32, #tpu.memory_space<vmem>>, %arg7: memref<800xi32, #tpu.memory_space<vmem>>, %arg8: memref<800xi32, #tpu.memory_space<vmem>>, %arg9: memref<800xi32, #tpu.memory_space<vmem>>, %arg10: memref<800xi32, #tpu.memory_space<vmem>>, %arg11: memref<800xi32, #tpu.memory_space<vmem>>, %arg12: memref<800x16xf32, #tpu.memory_space<vmem>>, %arg13: memref<800x16xf32, #tpu.memory_space<vmem>>, %arg14: memref<100128x16xf32, #tpu.memory_space<vmem_shared>>, %arg15: memref<!tpu.dma_semaphore, #tpu.memory_space<semaphore_mem>>, %arg16: memref<!tpu.dma_semaphore, #tpu.memory_space<semaphore_mem>>, %arg17: memref<!tpu.dma_semaphore, #tpu.memory_space<semaphore_mem>>, %arg18: memref<!tpu.dma_semaphore, #tpu.memory_space<semaphore_mem>>, %arg19: memref<!tpu.dma_semaphore, #tpu.memory_space<semaphore_mem>>, %arg20: memref<!tpu.dma_semaphore, #tpu.memory_space<semaphore_mem>>) attributes {dimension_semantics = [#tpu.dimension_semantics<core_parallel>, #tpu.dimension_semantics<subcore_parallel>], iteration_bounds = array<i64: 2, 16>, scalar_prefetch = 0 : i64, scratch_operands = 15 : i64, tpu.core_type = #tpu.core_type<sc_vector_subcore>, window_params = [{transform_indices = #map}, {transform_indices = #map1}, {transform_indices = #map1}, {transform_indices = #map}]} {
    %mul3A = arith.constant 2 : i32
    %mul3A_0 = arith.muli %arg1, %mul3A : i32
    %add3A = arith.addi %mul3A_0, %arg0 : i32
    %mul3A_1 = arith.constant 1600 : i32
    %mul3A_2 = arith.muli %add3A, %mul3A_1 : i32
    %iota3A = tpu.iota {dimensions = array<i32: 0>} : vector<16xi32>
    %mul3A_3 = arith.constant 8 : i32
    %mul3A_4 = vector.broadcast %mul3A_3 : i32 to vector<16xi32>
    %mul3A_5 = arith.muli %iota3A, %mul3A_4 : vector<16xi32>
    %add3A_6 = arith.constant 100000 : i32
    %add3A_7 = vector.broadcast %add3A_6 : i32 to vector<16xi32>
    %add3A_8 = arith.addi %add3A_7, %mul3A_5 : vector<16xi32>
    %jit3A = arith.constant 8 : i32
    %eq3A = arith.constant 0 : i32
    %eq3A_9 = arith.cmpi eq, %jit3A, %eq3A : i32
    %jit3A_10 = arith.constant 1 : i32
    %select_n3A = arith.select %eq3A_9, %jit3A_10, %jit3A : i32
    %rem3A = arith.remsi %add3A, %select_n3A : i32
    %ne3A = arith.constant 0 : i32
    %ne3A_11 = arith.cmpi ne, %rem3A, %ne3A : i32
    %lt3A = arith.constant 0 : i32
    %lt3A_12 = arith.cmpi slt, %rem3A, %lt3A : i32
    %lt3A_13 = arith.constant 0 : i32
    %lt3A_14 = arith.cmpi slt, %select_n3A, %lt3A_13 : i32
    %ne3A_15 = arith.xori %lt3A_12, %lt3A_14 : i1
    %and3A = arith.andi %ne3A_15, %ne3A_11 : i1
    %add3A_16 = arith.addi %rem3A, %select_n3A : i32
    %select_n3A_17 = arith.select %and3A, %add3A_16, %rem3A : i32
    %add3A_18 = vector.broadcast %select_n3A_17 : i32 to vector<16xi32>
    %add3A_19 = arith.addi %add3A_8, %add3A_18 : vector<16xi32>
    %eq3A_20 = arith.constant 0 : i32
    %eq3A_21 = arith.cmpi eq, %arg1, %eq3A_20 : i32
    %convert_element_type3A = arith.extui %eq3A_21 : i1 to i32
    %cond3A = arith.constant 0 : i32
    %cond3A_22 = arith.cmpi ne, %convert_element_type3A, %cond3A : i32
    scf.if %cond3A_22 {
      "tpu.region"() ({
        %run_scoped3A = tpu.sem_alloc : memref<!tpu.dma_semaphore, #tpu.memory_space<semaphore_mem>>
        tpu.enqueue_dma source(%arg2 : memref<100128x16xf32, #tpu.memory_space<hbm>>) target(%arg14 : memref<100128x16xf32, #tpu.memory_space<vmem_shared>>) target_semaphore(%run_scoped3A : memref<!tpu.dma_semaphore, #tpu.memory_space<semaphore_mem>>)
        tpu.wait_dma2 semaphore(%run_scoped3A : memref<!tpu.dma_semaphore, #tpu.memory_space<semaphore_mem>>) src(%arg2 : memref<100128x16xf32, #tpu.memory_space<hbm>>) dst(%arg14 : memref<100128x16xf32, #tpu.memory_space<vmem_shared>>)
        tpu.yield
      }) : () -> ()
    } else {
    }
    %barrier3A = arith.constant 0 : index
    tpu.barrier barrier_id(%barrier3A)
    %add3A_23 = arith.constant 51200 : i32
    %add3A_24 = arith.addi %add3A_23, %mul3A_2 : i32
    %add3A_25 = arith.constant 0 : i32
    %add3A_26 = arith.addi %add3A_24, %add3A_25 : i32
    %dma_start3A = tpu.memref_slice %arg3[%add3A_26] : memref<2764800xi32, #tpu.memory_space<hbm>> -> memref<800xi32, #tpu.memory_space<hbm>>
    %dma_start3A_27 = tpu.memref_slice %arg3[%add3A_26] : memref<2764800xi32, #tpu.memory_space<hbm>> -> memref<800xi32, #tpu.memory_space<hbm>>
    tpu.enqueue_dma source(%dma_start3A_27 : memref<800xi32, #tpu.memory_space<hbm>>) target(%arg6 : memref<800xi32, #tpu.memory_space<vmem>>) target_semaphore(%arg15 : memref<!tpu.dma_semaphore, #tpu.memory_space<semaphore_mem>>)
    %add3A_28 = arith.constant 51200 : i32
    %add3A_29 = arith.addi %add3A_28, %mul3A_2 : i32
    %add3A_30 = arith.constant 0 : i32
    %add3A_31 = arith.addi %add3A_29, %add3A_30 : i32
    %dma_start3A_32 = tpu.memref_slice %arg4[%add3A_31] : memref<2764800xi32, #tpu.memory_space<hbm>> -> memref<800xi32, #tpu.memory_space<hbm>>
    %dma_start3A_33 = tpu.memref_slice %arg4[%add3A_31] : memref<2764800xi32, #tpu.memory_space<hbm>> -> memref<800xi32, #tpu.memory_space<hbm>>
    tpu.enqueue_dma source(%dma_start3A_33 : memref<800xi32, #tpu.memory_space<hbm>>) target(%arg8 : memref<800xi32, #tpu.memory_space<vmem>>) target_semaphore(%arg15 : memref<!tpu.dma_semaphore, #tpu.memory_space<semaphore_mem>>)
    %scan3A = arith.constant 0 : i32
    %scan3A_34 = arith.constant 0 : i32
    %scan3A_35 = arith.constant 27 : i32
    %scan3A_36 = arith.addi %scan3A_34, %scan3A_35 : i32
    %scan3A_37 = arith.constant 1 : i32
    scf.for %scan3A_59 = %scan3A_34 to %scan3A_36 step %scan3A_37  : i32 {
      %mul3A_60 = arith.constant 2 : i32
      %mul3A_61 = arith.muli %scan3A_59, %mul3A_60 : i32
      %add3A_62 = arith.constant 0 : i32
      %add3A_63 = arith.addi %mul3A_61, %add3A_62 : i32
      %ge3A = arith.constant 1 : i32
      %ge3A_64 = arith.cmpi sge, %add3A_63, %ge3A : i32
      %convert_element_type3A_65 = arith.extui %ge3A_64 : i1 to i32
      %cond3A_66 = arith.constant 0 : i32
      %cond3A_67 = arith.cmpi ne, %convert_element_type3A_65, %cond3A_66 : i32
      scf.if %cond3A_67 {
        %dma_wait3A_135 = arith.constant 0 : i32
        %dma_wait3A_136 = arith.constant 0 : i32
        %dma_wait3A_137 = tpu.memref_slice %arg14[%dma_wait3A_135, %dma_wait3A_136] : memref<100128x16xf32, #tpu.memory_space<vmem_shared>> -> memref<100128x16xf32, #tpu.memory_space<vmem_shared>>
        tpu.wait_indirect_dma semaphore(%arg18 : memref<!tpu.dma_semaphore, #tpu.memory_space<semaphore_mem>>) src(%dma_wait3A_137 : memref<100128x16xf32, #tpu.memory_space<vmem_shared>>) dst(%arg13 : memref<800x16xf32, #tpu.memory_space<vmem>>)
        %sub3A = arith.constant 1 : i32
        %sub3A_138 = arith.subi %add3A_63, %sub3A : i32
        %jit3A_139 = arith.constant 2 : i32
        %eq3A_140 = arith.constant 0 : i32
        %eq3A_141 = arith.cmpi eq, %jit3A_139, %eq3A_140 : i32
        %jit3A_142 = arith.constant 1 : i32
        %select_n3A_143 = arith.select %eq3A_141, %jit3A_142, %jit3A_139 : i32
        %rem3A_144 = arith.remsi %sub3A_138, %select_n3A_143 : i32
        %ne3A_145 = arith.constant 0 : i32
        %ne3A_146 = arith.cmpi ne, %rem3A_144, %ne3A_145 : i32
        %lt3A_147 = arith.constant 0 : i32
        %lt3A_148 = arith.cmpi slt, %rem3A_144, %lt3A_147 : i32
        %lt3A_149 = arith.constant 0 : i32
        %lt3A_150 = arith.cmpi slt, %select_n3A_143, %lt3A_149 : i32
        %ne3A_151 = arith.xori %lt3A_148, %lt3A_150 : i1
        %and3A_152 = arith.andi %ne3A_151, %ne3A_146 : i1
        %add3A_153 = arith.addi %rem3A_144, %select_n3A_143 : i32
        %select_n3A_154 = arith.select %and3A_152, %add3A_153, %rem3A_144 : i32
        %mul3A_155 = arith.constant 800 : i32
        %mul3A_156 = arith.muli %select_n3A_154, %mul3A_155 : i32
        %add3A_157 = arith.addi %mul3A_2, %mul3A_156 : i32
        %jit3A_158 = arith.constant 2 : i32
        %div3A = arith.divsi %sub3A_138, %jit3A_158 : i32
        %sign3A = arith.constant 0 : i32
        %sign3A_159 = arith.cmpi sgt, %sub3A_138, %sign3A : i32
        %sign3A_160 = arith.extui %sign3A_159 : i1 to i32
        %sign3A_161 = arith.constant 0 : i32
        %sign3A_162 = arith.cmpi slt, %sub3A_138, %sign3A_161 : i32
        %sign3A_163 = arith.extui %sign3A_162 : i1 to i32
        %sign3A_164 = arith.subi %sign3A_160, %sign3A_163 : i32
        %sign3A_165 = arith.constant 0 : i32
        %sign3A_166 = arith.cmpi sgt, %jit3A_158, %sign3A_165 : i32
        %sign3A_167 = arith.extui %sign3A_166 : i1 to i32
        %sign3A_168 = arith.constant 0 : i32
        %sign3A_169 = arith.cmpi slt, %jit3A_158, %sign3A_168 : i32
        %sign3A_170 = arith.extui %sign3A_169 : i1 to i32
        %sign3A_171 = arith.subi %sign3A_167, %sign3A_170 : i32
        %ne3A_172 = arith.cmpi ne, %sign3A_164, %sign3A_171 : i32
        %rem3A_173 = arith.remsi %sub3A_138, %jit3A_158 : i32
        %ne3A_174 = arith.constant 0 : i32
        %ne3A_175 = arith.cmpi ne, %rem3A_173, %ne3A_174 : i32
        %and3A_176 = arith.andi %ne3A_172, %ne3A_175 : i1
        %sub3A_177 = arith.constant 1 : i32
        %sub3A_178 = arith.subi %div3A, %sub3A_177 : i32
        %select_n3A_179 = arith.select %and3A_176, %sub3A_178, %div3A : i32
        %mul3A_180 = arith.constant 16 : i32
        %mul3A_181 = arith.muli %select_n3A_179, %mul3A_180 : i32
        %dma_start3A_182 = tpu.memref_slice %arg5[%add3A_157, %mul3A_181] : memref<51200x512xf32, #tpu.memory_space<hbm>> -> memref<800x16xf32, #tpu.memory_space<hbm>>
        %dma_start3A_183 = tpu.memref_slice %arg5[%add3A_157, %mul3A_181] : memref<51200x512xf32, #tpu.memory_space<hbm>> -> memref<800x16xf32, #tpu.memory_space<hbm>>
        tpu.enqueue_dma source(%arg13 : memref<800x16xf32, #tpu.memory_space<vmem>>) target(%dma_start3A_183 : memref<800x16xf32, #tpu.memory_space<hbm>>) target_semaphore(%arg20 : memref<!tpu.dma_semaphore, #tpu.memory_space<semaphore_mem>>)
      } else {
      }
      %add3A_68 = arith.constant 1 : i32
      %add3A_69 = arith.addi %add3A_63, %add3A_68 : i32
      %lt3A_70 = arith.constant 54 : i32
      %lt3A_71 = arith.cmpi slt, %add3A_69, %lt3A_70 : i32
      %convert_element_type3A_72 = arith.extui %lt3A_71 : i1 to i32
      %cond3A_73 = arith.constant 0 : i32
      %cond3A_74 = arith.cmpi ne, %convert_element_type3A_72, %cond3A_73 : i32
      scf.if %cond3A_74 {
        %add3A_135 = arith.constant 1 : i32
        %add3A_136 = arith.addi %add3A_63, %add3A_135 : i32
        %jit3A_137 = arith.constant 2 : i32
        %div3A = arith.divsi %add3A_136, %jit3A_137 : i32
        %sign3A = arith.constant 0 : i32
        %sign3A_138 = arith.cmpi sgt, %add3A_136, %sign3A : i32
        %sign3A_139 = arith.extui %sign3A_138 : i1 to i32
        %sign3A_140 = arith.constant 0 : i32
        %sign3A_141 = arith.cmpi slt, %add3A_136, %sign3A_140 : i32
        %sign3A_142 = arith.extui %sign3A_141 : i1 to i32
        %sign3A_143 = arith.subi %sign3A_139, %sign3A_142 : i32
        %sign3A_144 = arith.constant 0 : i32
        %sign3A_145 = arith.cmpi sgt, %jit3A_137, %sign3A_144 : i32
        %sign3A_146 = arith.extui %sign3A_145 : i1 to i32
        %sign3A_147 = arith.constant 0 : i32
        %sign3A_148 = arith.cmpi slt, %jit3A_137, %sign3A_147 : i32
        %sign3A_149 = arith.extui %sign3A_148 : i1 to i32
        %sign3A_150 = arith.subi %sign3A_146, %sign3A_149 : i32
        %ne3A_151 = arith.cmpi ne, %sign3A_143, %sign3A_150 : i32
        %rem3A_152 = arith.remsi %add3A_136, %jit3A_137 : i32
        %ne3A_153 = arith.constant 0 : i32
        %ne3A_154 = arith.cmpi ne, %rem3A_152, %ne3A_153 : i32
        %and3A_155 = arith.andi %ne3A_151, %ne3A_154 : i1
        %sub3A = arith.constant 1 : i32
        %sub3A_156 = arith.subi %div3A, %sub3A : i32
        %select_n3A_157 = arith.select %and3A_155, %sub3A_156, %div3A : i32
        %mul3A_158 = arith.constant 102400 : i32
        %mul3A_159 = arith.muli %select_n3A_157, %mul3A_158 : i32
        %add3A_160 = arith.constant 51200 : i32
        %add3A_161 = arith.addi %mul3A_159, %add3A_160 : i32
        %add3A_162 = arith.addi %add3A_161, %mul3A_2 : i32
        %jit3A_163 = arith.constant 2 : i32
        %eq3A_164 = arith.constant 0 : i32
        %eq3A_165 = arith.cmpi eq, %jit3A_163, %eq3A_164 : i32
        %jit3A_166 = arith.constant 1 : i32
        %select_n3A_167 = arith.select %eq3A_165, %jit3A_166, %jit3A_163 : i32
        %rem3A_168 = arith.remsi %add3A_136, %select_n3A_167 : i32
        %ne3A_169 = arith.constant 0 : i32
        %ne3A_170 = arith.cmpi ne, %rem3A_168, %ne3A_169 : i32
        %lt3A_171 = arith.constant 0 : i32
        %lt3A_172 = arith.cmpi slt, %rem3A_168, %lt3A_171 : i32
        %lt3A_173 = arith.constant 0 : i32
        %lt3A_174 = arith.cmpi slt, %select_n3A_167, %lt3A_173 : i32
        %ne3A_175 = arith.xori %lt3A_172, %lt3A_174 : i1
        %and3A_176 = arith.andi %ne3A_175, %ne3A_170 : i1
        %add3A_177 = arith.addi %rem3A_168, %select_n3A_167 : i32
        %select_n3A_178 = arith.select %and3A_176, %add3A_177, %rem3A_168 : i32
        %mul3A_179 = arith.constant 800 : i32
        %mul3A_180 = arith.muli %select_n3A_178, %mul3A_179 : i32
        %add3A_181 = arith.addi %add3A_162, %mul3A_180 : i32
        %dma_start3A_182 = tpu.memref_slice %arg3[%add3A_181] : memref<2764800xi32, #tpu.memory_space<hbm>> -> memref<800xi32, #tpu.memory_space<hbm>>
        %dma_start3A_183 = tpu.memref_slice %arg3[%add3A_181] : memref<2764800xi32, #tpu.memory_space<hbm>> -> memref<800xi32, #tpu.memory_space<hbm>>
        tpu.enqueue_dma source(%dma_start3A_183 : memref<800xi32, #tpu.memory_space<hbm>>) target(%arg7 : memref<800xi32, #tpu.memory_space<vmem>>) target_semaphore(%arg16 : memref<!tpu.dma_semaphore, #tpu.memory_space<semaphore_mem>>)
        %jit3A_184 = arith.constant 2 : i32
        %div3A_185 = arith.divsi %add3A_136, %jit3A_184 : i32
        %sign3A_186 = arith.constant 0 : i32
        %sign3A_187 = arith.cmpi sgt, %add3A_136, %sign3A_186 : i32
        %sign3A_188 = arith.extui %sign3A_187 : i1 to i32
        %sign3A_189 = arith.constant 0 : i32
        %sign3A_190 = arith.cmpi slt, %add3A_136, %sign3A_189 : i32
        %sign3A_191 = arith.extui %sign3A_190 : i1 to i32
        %sign3A_192 = arith.subi %sign3A_188, %sign3A_191 : i32
        %sign3A_193 = arith.constant 0 : i32
        %sign3A_194 = arith.cmpi sgt, %jit3A_184, %sign3A_193 : i32
        %sign3A_195 = arith.extui %sign3A_194 : i1 to i32
        %sign3A_196 = arith.constant 0 : i32
        %sign3A_197 = arith.cmpi slt, %jit3A_184, %sign3A_196 : i32
        %sign3A_198 = arith.extui %sign3A_197 : i1 to i32
        %sign3A_199 = arith.subi %sign3A_195, %sign3A_198 : i32
        %ne3A_200 = arith.cmpi ne, %sign3A_192, %sign3A_199 : i32
        %rem3A_201 = arith.remsi %add3A_136, %jit3A_184 : i32
        %ne3A_202 = arith.constant 0 : i32
        %ne3A_203 = arith.cmpi ne, %rem3A_201, %ne3A_202 : i32
        %and3A_204 = arith.andi %ne3A_200, %ne3A_203 : i1
        %sub3A_205 = arith.constant 1 : i32
        %sub3A_206 = arith.subi %div3A_185, %sub3A_205 : i32
        %select_n3A_207 = arith.select %and3A_204, %sub3A_206, %div3A_185 : i32
        %mul3A_208 = arith.constant 102400 : i32
        %mul3A_209 = arith.muli %select_n3A_207, %mul3A_208 : i32
        %add3A_210 = arith.constant 51200 : i32
        %add3A_211 = arith.addi %mul3A_209, %add3A_210 : i32
        %add3A_212 = arith.addi %add3A_211, %mul3A_2 : i32
        %jit3A_213 = arith.constant 2 : i32
        %eq3A_214 = arith.constant 0 : i32
        %eq3A_215 = arith.cmpi eq, %jit3A_213, %eq3A_214 : i32
        %jit3A_216 = arith.constant 1 : i32
        %select_n3A_217 = arith.select %eq3A_215, %jit3A_216, %jit3A_213 : i32
        %rem3A_218 = arith.remsi %add3A_136, %select_n3A_217 : i32
        %ne3A_219 = arith.constant 0 : i32
        %ne3A_220 = arith.cmpi ne, %rem3A_218, %ne3A_219 : i32
        %lt3A_221 = arith.constant 0 : i32
        %lt3A_222 = arith.cmpi slt, %rem3A_218, %lt3A_221 : i32
        %lt3A_223 = arith.constant 0 : i32
        %lt3A_224 = arith.cmpi slt, %select_n3A_217, %lt3A_223 : i32
        %ne3A_225 = arith.xori %lt3A_222, %lt3A_224 : i1
        %and3A_226 = arith.andi %ne3A_225, %ne3A_220 : i1
        %add3A_227 = arith.addi %rem3A_218, %select_n3A_217 : i32
        %select_n3A_228 = arith.select %and3A_226, %add3A_227, %rem3A_218 : i32
        %mul3A_229 = arith.constant 800 : i32
        %mul3A_230 = arith.muli %select_n3A_228, %mul3A_229 : i32
        %add3A_231 = arith.addi %add3A_212, %mul3A_230 : i32
        %dma_start3A_232 = tpu.memref_slice %arg4[%add3A_231] : memref<2764800xi32, #tpu.memory_space<hbm>> -> memref<800xi32, #tpu.memory_space<hbm>>
        %dma_start3A_233 = tpu.memref_slice %arg4[%add3A_231] : memref<2764800xi32, #tpu.memory_space<hbm>> -> memref<800xi32, #tpu.memory_space<hbm>>
        tpu.enqueue_dma source(%dma_start3A_233 : memref<800xi32, #tpu.memory_space<hbm>>) target(%arg9 : memref<800xi32, #tpu.memory_space<vmem>>) target_semaphore(%arg16 : memref<!tpu.dma_semaphore, #tpu.memory_space<semaphore_mem>>)
      } else {
      }
      %dma_wait3A_75 = arith.constant 0 : i32
      %dma_wait3A_76 = tpu.memref_slice %arg3[%dma_wait3A_75] : memref<2764800xi32, #tpu.memory_space<hbm>> -> memref<800xi32, #tpu.memory_space<hbm>>
      %dma_wait3A_77 = arith.constant 0 : i32
      %dma_wait3A_78 = tpu.memref_slice %arg3[%dma_wait3A_77] : memref<2764800xi32, #tpu.memory_space<hbm>> -> memref<800xi32, #tpu.memory_space<hbm>>
      tpu.wait_dma2 semaphore(%arg15 : memref<!tpu.dma_semaphore, #tpu.memory_space<semaphore_mem>>) src(%dma_wait3A_78 : memref<800xi32, #tpu.memory_space<hbm>>) dst(%arg6 : memref<800xi32, #tpu.memory_space<vmem>>)
      %dma_wait3A_79 = arith.constant 0 : i32
      %dma_wait3A_80 = tpu.memref_slice %arg4[%dma_wait3A_79] : memref<2764800xi32, #tpu.memory_space<hbm>> -> memref<800xi32, #tpu.memory_space<hbm>>
      %dma_wait3A_81 = arith.constant 0 : i32
      %dma_wait3A_82 = tpu.memref_slice %arg4[%dma_wait3A_81] : memref<2764800xi32, #tpu.memory_space<hbm>> -> memref<800xi32, #tpu.memory_space<hbm>>
      tpu.wait_dma2 semaphore(%arg15 : memref<!tpu.dma_semaphore, #tpu.memory_space<semaphore_mem>>) src(%dma_wait3A_82 : memref<800xi32, #tpu.memory_space<hbm>>) dst(%arg8 : memref<800xi32, #tpu.memory_space<vmem>>)
      %scan3A_83 = arith.constant 0 : i32
      %scan3A_84 = arith.constant 0 : i32
      %scan3A_85 = arith.constant 50 : i32
      %scan3A_86 = arith.addi %scan3A_84, %scan3A_85 : i32
      %scan3A_87 = arith.constant 1 : i32
      scf.for %scan3A_135 = %scan3A_84 to %scan3A_86 step %scan3A_87  : i32 {
        %mul3A_136 = arith.constant 16 : i32
        %mul3A_137 = arith.muli %scan3A_135, %mul3A_136 : i32
        %get3A = arith.index_cast %mul3A_137 : i32 to index
        %get3A_138 = tpu.vector_load %arg8[%get3A] {strides = array<i32>} : memref<800xi32, #tpu.memory_space<vmem>>, vector<16xi32>,
        %get3A_139 = vector.shape_cast %get3A_138 : vector<16xi32> to vector<16xi32>
        %ne3A_140 = arith.constant 0 : i32
        %ne3A_141 = vector.broadcast %ne3A_140 : i32 to vector<16xi32>
        %ne3A_142 = arith.cmpi ne, %get3A_139, %ne3A_141 : vector<16xi32>
        %get3A_143 = arith.index_cast %mul3A_137 : i32 to index
        %get3A_144 = tpu.vector_load %arg6[%get3A_143] {strides = array<i32>} : memref<800xi32, #tpu.memory_space<vmem>>, vector<16xi32>,
        %get3A_145 = vector.shape_cast %get3A_144 : vector<16xi32> to vector<16xi32>
        %select_n3A_146 = arith.select %ne3A_142, %get3A_145, %add3A_19 : vector<16xi1>, vector<16xi32>
        %swap3A = arith.index_cast %mul3A_137 : i32 to index
        %swap3A_147 = tpu.vector_load %arg10[%swap3A] {strides = array<i32>} : memref<800xi32, #tpu.memory_space<vmem>>, vector<16xi32>,
        %swap3A_148 = vector.shape_cast %swap3A_147 : vector<16xi32> to vector<16xi32>
        %swap3A_149 = vector.shape_cast %select_n3A_146 : vector<16xi32> to vector<16xi32>
        tpu.vector_store %arg10[%swap3A], %swap3A_149 {strides = array<i32>} : memref<800xi32, #tpu.memory_space<vmem>>, vector<16xi32>,
      }
      %scan3A_88 = arith.constant 50 : i32
      %ge3A_89 = arith.constant 2 : i32
      %ge3A_90 = arith.cmpi sge, %add3A_63, %ge3A_89 : i32
      %convert_element_type3A_91 = arith.extui %ge3A_90 : i1 to i32
      %cond3A_92 = arith.constant 0 : i32
      %cond3A_93 = arith.cmpi ne, %convert_element_type3A_91, %cond3A_92 : i32
      scf.if %cond3A_93 {
        %sub3A = arith.constant 2 : i32
        %sub3A_135 = arith.subi %add3A_63, %sub3A : i32
        %jit3A_136 = arith.constant 2 : i32
        %eq3A_137 = arith.constant 0 : i32
        %eq3A_138 = arith.cmpi eq, %jit3A_136, %eq3A_137 : i32
        %jit3A_139 = arith.constant 1 : i32
        %select_n3A_140 = arith.select %eq3A_138, %jit3A_139, %jit3A_136 : i32
        %rem3A_141 = arith.remsi %sub3A_135, %select_n3A_140 : i32
        %ne3A_142 = arith.constant 0 : i32
        %ne3A_143 = arith.cmpi ne, %rem3A_141, %ne3A_142 : i32
        %lt3A_144 = arith.constant 0 : i32
        %lt3A_145 = arith.cmpi slt, %rem3A_141, %lt3A_144 : i32
        %lt3A_146 = arith.constant 0 : i32
        %lt3A_147 = arith.cmpi slt, %select_n3A_140, %lt3A_146 : i32
        %ne3A_148 = arith.xori %lt3A_145, %lt3A_147 : i1
        %and3A_149 = arith.andi %ne3A_148, %ne3A_143 : i1
        %add3A_150 = arith.addi %rem3A_141, %select_n3A_140 : i32
        %select_n3A_151 = arith.select %and3A_149, %add3A_150, %rem3A_141 : i32
        %mul3A_152 = arith.constant 800 : i32
        %mul3A_153 = arith.muli %select_n3A_151, %mul3A_152 : i32
        %add3A_154 = arith.addi %mul3A_2, %mul3A_153 : i32
        %jit3A_155 = arith.constant 2 : i32
        %div3A = arith.divsi %sub3A_135, %jit3A_155 : i32
        %sign3A = arith.constant 0 : i32
        %sign3A_156 = arith.cmpi sgt, %sub3A_135, %sign3A : i32
        %sign3A_157 = arith.extui %sign3A_156 : i1 to i32
        %sign3A_158 = arith.constant 0 : i32
        %sign3A_159 = arith.cmpi slt, %sub3A_135, %sign3A_158 : i32
        %sign3A_160 = arith.extui %sign3A_159 : i1 to i32
        %sign3A_161 = arith.subi %sign3A_157, %sign3A_160 : i32
        %sign3A_162 = arith.constant 0 : i32
        %sign3A_163 = arith.cmpi sgt, %jit3A_155, %sign3A_162 : i32
        %sign3A_164 = arith.extui %sign3A_163 : i1 to i32
        %sign3A_165 = arith.constant 0 : i32
        %sign3A_166 = arith.cmpi slt, %jit3A_155, %sign3A_165 : i32
        %sign3A_167 = arith.extui %sign3A_166 : i1 to i32
        %sign3A_168 = arith.subi %sign3A_164, %sign3A_167 : i32
        %ne3A_169 = arith.cmpi ne, %sign3A_161, %sign3A_168 : i32
        %rem3A_170 = arith.remsi %sub3A_135, %jit3A_155 : i32
        %ne3A_171 = arith.constant 0 : i32
        %ne3A_172 = arith.cmpi ne, %rem3A_170, %ne3A_171 : i32
        %and3A_173 = arith.andi %ne3A_169, %ne3A_172 : i1
        %sub3A_174 = arith.constant 1 : i32
        %sub3A_175 = arith.subi %div3A, %sub3A_174 : i32
        %select_n3A_176 = arith.select %and3A_173, %sub3A_175, %div3A : i32
        %mul3A_177 = arith.constant 16 : i32
        %mul3A_178 = arith.muli %select_n3A_176, %mul3A_177 : i32
        %dma_wait3A_179 = tpu.memref_slice %arg5[%add3A_154, %mul3A_178] : memref<51200x512xf32, #tpu.memory_space<hbm>> -> memref<800x16xf32, #tpu.memory_space<hbm>>
        %dma_wait3A_180 = tpu.memref_slice %arg5[%add3A_154, %mul3A_178] : memref<51200x512xf32, #tpu.memory_space<hbm>> -> memref<800x16xf32, #tpu.memory_space<hbm>>
        tpu.wait_dma2 semaphore(%arg19 : memref<!tpu.dma_semaphore, #tpu.memory_space<semaphore_mem>>) src(%arg12 : memref<800x16xf32, #tpu.memory_space<vmem>>) dst(%dma_wait3A_180 : memref<800x16xf32, #tpu.memory_space<hbm>>)
      } else {
      }
      %dma_start3A_94 = arith.constant 0 : i32
      %dma_start3A_95 = arith.constant 0 : i32
      %dma_start3A_96 = tpu.memref_slice %arg14[%dma_start3A_94, %dma_start3A_95] : memref<100128x16xf32, #tpu.memory_space<vmem_shared>> -> memref<100128x16xf32, #tpu.memory_space<vmem_shared>>
      tpu.enqueue_indirect_dma source(%dma_start3A_96 : memref<100128x16xf32, #tpu.memory_space<vmem_shared>>) target(%arg12 : memref<800x16xf32, #tpu.memory_space<vmem>>) offsets(%arg10 : memref<800xi32, #tpu.memory_space<vmem>>) semaphore(%arg17 : memref<!tpu.dma_semaphore, #tpu.memory_space<semaphore_mem>>)
      %mul3A_97 = arith.constant 2 : i32
      %mul3A_98 = arith.muli %scan3A_59, %mul3A_97 : i32
      %add3A_99 = arith.constant 1 : i32
      %add3A_100 = arith.addi %mul3A_98, %add3A_99 : i32
      %ge3A_101 = arith.constant 1 : i32
      %ge3A_102 = arith.cmpi sge, %add3A_100, %ge3A_101 : i32
      %convert_element_type3A_103 = arith.extui %ge3A_102 : i1 to i32
      %cond3A_104 = arith.constant 0 : i32
      %cond3A_105 = arith.cmpi ne, %convert_element_type3A_103, %cond3A_104 : i32
      scf.if %cond3A_105 {
        %dma_wait3A_135 = arith.constant 0 : i32
        %dma_wait3A_136 = arith.constant 0 : i32
        %dma_wait3A_137 = tpu.memref_slice %arg14[%dma_wait3A_135, %dma_wait3A_136] : memref<100128x16xf32, #tpu.memory_space<vmem_shared>> -> memref<100128x16xf32, #tpu.memory_space<vmem_shared>>
        tpu.wait_indirect_dma semaphore(%arg17 : memref<!tpu.dma_semaphore, #tpu.memory_space<semaphore_mem>>) src(%dma_wait3A_137 : memref<100128x16xf32, #tpu.memory_space<vmem_shared>>) dst(%arg12 : memref<800x16xf32, #tpu.memory_space<vmem>>)
        %sub3A = arith.constant 1 : i32
        %sub3A_138 = arith.subi %add3A_100, %sub3A : i32
        %jit3A_139 = arith.constant 2 : i32
        %eq3A_140 = arith.constant 0 : i32
        %eq3A_141 = arith.cmpi eq, %jit3A_139, %eq3A_140 : i32
        %jit3A_142 = arith.constant 1 : i32
        %select_n3A_143 = arith.select %eq3A_141, %jit3A_142, %jit3A_139 : i32
        %rem3A_144 = arith.remsi %sub3A_138, %select_n3A_143 : i32
        %ne3A_145 = arith.constant 0 : i32
        %ne3A_146 = arith.cmpi ne, %rem3A_144, %ne3A_145 : i32
        %lt3A_147 = arith.constant 0 : i32
        %lt3A_148 = arith.cmpi slt, %rem3A_144, %lt3A_147 : i32
        %lt3A_149 = arith.constant 0 : i32
        %lt3A_150 = arith.cmpi slt, %select_n3A_143, %lt3A_149 : i32
        %ne3A_151 = arith.xori %lt3A_148, %lt3A_150 : i1
        %and3A_152 = arith.andi %ne3A_151, %ne3A_146 : i1
        %add3A_153 = arith.addi %rem3A_144, %select_n3A_143 : i32
        %select_n3A_154 = arith.select %and3A_152, %add3A_153, %rem3A_144 : i32
        %mul3A_155 = arith.constant 800 : i32
        %mul3A_156 = arith.muli %select_n3A_154, %mul3A_155 : i32
        %add3A_157 = arith.addi %mul3A_2, %mul3A_156 : i32
        %jit3A_158 = arith.constant 2 : i32
        %div3A = arith.divsi %sub3A_138, %jit3A_158 : i32
        %sign3A = arith.constant 0 : i32
        %sign3A_159 = arith.cmpi sgt, %sub3A_138, %sign3A : i32
        %sign3A_160 = arith.extui %sign3A_159 : i1 to i32
        %sign3A_161 = arith.constant 0 : i32
        %sign3A_162 = arith.cmpi slt, %sub3A_138, %sign3A_161 : i32
        %sign3A_163 = arith.extui %sign3A_162 : i1 to i32
        %sign3A_164 = arith.subi %sign3A_160, %sign3A_163 : i32
        %sign3A_165 = arith.constant 0 : i32
        %sign3A_166 = arith.cmpi sgt, %jit3A_158, %sign3A_165 : i32
        %sign3A_167 = arith.extui %sign3A_166 : i1 to i32
        %sign3A_168 = arith.constant 0 : i32
        %sign3A_169 = arith.cmpi slt, %jit3A_158, %sign3A_168 : i32
        %sign3A_170 = arith.extui %sign3A_169 : i1 to i32
        %sign3A_171 = arith.subi %sign3A_167, %sign3A_170 : i32
        %ne3A_172 = arith.cmpi ne, %sign3A_164, %sign3A_171 : i32
        %rem3A_173 = arith.remsi %sub3A_138, %jit3A_158 : i32
        %ne3A_174 = arith.constant 0 : i32
        %ne3A_175 = arith.cmpi ne, %rem3A_173, %ne3A_174 : i32
        %and3A_176 = arith.andi %ne3A_172, %ne3A_175 : i1
        %sub3A_177 = arith.constant 1 : i32
        %sub3A_178 = arith.subi %div3A, %sub3A_177 : i32
        %select_n3A_179 = arith.select %and3A_176, %sub3A_178, %div3A : i32
        %mul3A_180 = arith.constant 16 : i32
        %mul3A_181 = arith.muli %select_n3A_179, %mul3A_180 : i32
        %dma_start3A_182 = tpu.memref_slice %arg5[%add3A_157, %mul3A_181] : memref<51200x512xf32, #tpu.memory_space<hbm>> -> memref<800x16xf32, #tpu.memory_space<hbm>>
        %dma_start3A_183 = tpu.memref_slice %arg5[%add3A_157, %mul3A_181] : memref<51200x512xf32, #tpu.memory_space<hbm>> -> memref<800x16xf32, #tpu.memory_space<hbm>>
        tpu.enqueue_dma source(%arg12 : memref<800x16xf32, #tpu.memory_space<vmem>>) target(%dma_start3A_183 : memref<800x16xf32, #tpu.memory_space<hbm>>) target_semaphore(%arg19 : memref<!tpu.dma_semaphore, #tpu.memory_space<semaphore_mem>>)
      } else {
      }
      %add3A_106 = arith.constant 1 : i32
      %add3A_107 = arith.addi %add3A_100, %add3A_106 : i32
      %lt3A_108 = arith.constant 54 : i32
      %lt3A_109 = arith.cmpi slt, %add3A_107, %lt3A_108 : i32
      %convert_element_type3A_110 = arith.extui %lt3A_109 : i1 to i32
      %cond3A_111 = arith.constant 0 : i32
      %cond3A_112 = arith.cmpi ne, %convert_element_type3A_110, %cond3A_111 : i32
      scf.if %cond3A_112 {
        %add3A_135 = arith.constant 1 : i32
        %add3A_136 = arith.addi %add3A_100, %add3A_135 : i32
        %jit3A_137 = arith.constant 2 : i32
        %div3A = arith.divsi %add3A_136, %jit3A_137 : i32
        %sign3A = arith.constant 0 : i32
        %sign3A_138 = arith.cmpi sgt, %add3A_136, %sign3A : i32
        %sign3A_139 = arith.extui %sign3A_138 : i1 to i32
        %sign3A_140 = arith.constant 0 : i32
        %sign3A_141 = arith.cmpi slt, %add3A_136, %sign3A_140 : i32
        %sign3A_142 = arith.extui %sign3A_141 : i1 to i32
        %sign3A_143 = arith.subi %sign3A_139, %sign3A_142 : i32
        %sign3A_144 = arith.constant 0 : i32
        %sign3A_145 = arith.cmpi sgt, %jit3A_137, %sign3A_144 : i32
        %sign3A_146 = arith.extui %sign3A_145 : i1 to i32
        %sign3A_147 = arith.constant 0 : i32
        %sign3A_148 = arith.cmpi slt, %jit3A_137, %sign3A_147 : i32
        %sign3A_149 = arith.extui %sign3A_148 : i1 to i32
        %sign3A_150 = arith.subi %sign3A_146, %sign3A_149 : i32
        %ne3A_151 = arith.cmpi ne, %sign3A_143, %sign3A_150 : i32
        %rem3A_152 = arith.remsi %add3A_136, %jit3A_137 : i32
        %ne3A_153 = arith.constant 0 : i32
        %ne3A_154 = arith.cmpi ne, %rem3A_152, %ne3A_153 : i32
        %and3A_155 = arith.andi %ne3A_151, %ne3A_154 : i1
        %sub3A = arith.constant 1 : i32
        %sub3A_156 = arith.subi %div3A, %sub3A : i32
        %select_n3A_157 = arith.select %and3A_155, %sub3A_156, %div3A : i32
        %mul3A_158 = arith.constant 102400 : i32
        %mul3A_159 = arith.muli %select_n3A_157, %mul3A_158 : i32
        %add3A_160 = arith.constant 51200 : i32
        %add3A_161 = arith.addi %mul3A_159, %add3A_160 : i32
        %add3A_162 = arith.addi %add3A_161, %mul3A_2 : i32
        %jit3A_163 = arith.constant 2 : i32
        %eq3A_164 = arith.constant 0 : i32
        %eq3A_165 = arith.cmpi eq, %jit3A_163, %eq3A_164 : i32
        %jit3A_166 = arith.constant 1 : i32
        %select_n3A_167 = arith.select %eq3A_165, %jit3A_166, %jit3A_163 : i32
        %rem3A_168 = arith.remsi %add3A_136, %select_n3A_167 : i32
        %ne3A_169 = arith.constant 0 : i32
        %ne3A_170 = arith.cmpi ne, %rem3A_168, %ne3A_169 : i32
        %lt3A_171 = arith.constant 0 : i32
        %lt3A_172 = arith.cmpi slt, %rem3A_168, %lt3A_171 : i32
        %lt3A_173 = arith.constant 0 : i32
        %lt3A_174 = arith.cmpi slt, %select_n3A_167, %lt3A_173 : i32
        %ne3A_175 = arith.xori %lt3A_172, %lt3A_174 : i1
        %and3A_176 = arith.andi %ne3A_175, %ne3A_170 : i1
        %add3A_177 = arith.addi %rem3A_168, %select_n3A_167 : i32
        %select_n3A_178 = arith.select %and3A_176, %add3A_177, %rem3A_168 : i32
        %mul3A_179 = arith.constant 800 : i32
        %mul3A_180 = arith.muli %select_n3A_178, %mul3A_179 : i32
        %add3A_181 = arith.addi %add3A_162, %mul3A_180 : i32
        %dma_start3A_182 = tpu.memref_slice %arg3[%add3A_181] : memref<2764800xi32, #tpu.memory_space<hbm>> -> memref<800xi32, #tpu.memory_space<hbm>>
        %dma_start3A_183 = tpu.memref_slice %arg3[%add3A_181] : memref<2764800xi32, #tpu.memory_space<hbm>> -> memref<800xi32, #tpu.memory_space<hbm>>
        tpu.enqueue_dma source(%dma_start3A_183 : memref<800xi32, #tpu.memory_space<hbm>>) target(%arg6 : memref<800xi32, #tpu.memory_space<vmem>>) target_semaphore(%arg15 : memref<!tpu.dma_semaphore, #tpu.memory_space<semaphore_mem>>)
        %jit3A_184 = arith.constant 2 : i32
        %div3A_185 = arith.divsi %add3A_136, %jit3A_184 : i32
        %sign3A_186 = arith.constant 0 : i32
        %sign3A_187 = arith.cmpi sgt, %add3A_136, %sign3A_186 : i32
        %sign3A_188 = arith.extui %sign3A_187 : i1 to i32
        %sign3A_189 = arith.constant 0 : i32
        %sign3A_190 = arith.cmpi slt, %add3A_136, %sign3A_189 : i32
        %sign3A_191 = arith.extui %sign3A_190 : i1 to i32
        %sign3A_192 = arith.subi %sign3A_188, %sign3A_191 : i32
        %sign3A_193 = arith.constant 0 : i32
        %sign3A_194 = arith.cmpi sgt, %jit3A_184, %sign3A_193 : i32
        %sign3A_195 = arith.extui %sign3A_194 : i1 to i32
        %sign3A_196 = arith.constant 0 : i32
        %sign3A_197 = arith.cmpi slt, %jit3A_184, %sign3A_196 : i32
        %sign3A_198 = arith.extui %sign3A_197 : i1 to i32
        %sign3A_199 = arith.subi %sign3A_195, %sign3A_198 : i32
        %ne3A_200 = arith.cmpi ne, %sign3A_192, %sign3A_199 : i32
        %rem3A_201 = arith.remsi %add3A_136, %jit3A_184 : i32
        %ne3A_202 = arith.constant 0 : i32
        %ne3A_203 = arith.cmpi ne, %rem3A_201, %ne3A_202 : i32
        %and3A_204 = arith.andi %ne3A_200, %ne3A_203 : i1
        %sub3A_205 = arith.constant 1 : i32
        %sub3A_206 = arith.subi %div3A_185, %sub3A_205 : i32
        %select_n3A_207 = arith.select %and3A_204, %sub3A_206, %div3A_185 : i32
        %mul3A_208 = arith.constant 102400 : i32
        %mul3A_209 = arith.muli %select_n3A_207, %mul3A_208 : i32
        %add3A_210 = arith.constant 51200 : i32
        %add3A_211 = arith.addi %mul3A_209, %add3A_210 : i32
        %add3A_212 = arith.addi %add3A_211, %mul3A_2 : i32
        %jit3A_213 = arith.constant 2 : i32
        %eq3A_214 = arith.constant 0 : i32
        %eq3A_215 = arith.cmpi eq, %jit3A_213, %eq3A_214 : i32
        %jit3A_216 = arith.constant 1 : i32
        %select_n3A_217 = arith.select %eq3A_215, %jit3A_216, %jit3A_213 : i32
        %rem3A_218 = arith.remsi %add3A_136, %select_n3A_217 : i32
        %ne3A_219 = arith.constant 0 : i32
        %ne3A_220 = arith.cmpi ne, %rem3A_218, %ne3A_219 : i32
        %lt3A_221 = arith.constant 0 : i32
        %lt3A_222 = arith.cmpi slt, %rem3A_218, %lt3A_221 : i32
        %lt3A_223 = arith.constant 0 : i32
        %lt3A_224 = arith.cmpi slt, %select_n3A_217, %lt3A_223 : i32
        %ne3A_225 = arith.xori %lt3A_222, %lt3A_224 : i1
        %and3A_226 = arith.andi %ne3A_225, %ne3A_220 : i1
        %add3A_227 = arith.addi %rem3A_218, %select_n3A_217 : i32
        %select_n3A_228 = arith.select %and3A_226, %add3A_227, %rem3A_218 : i32
        %mul3A_229 = arith.constant 800 : i32
        %mul3A_230 = arith.muli %select_n3A_228, %mul3A_229 : i32
        %add3A_231 = arith.addi %add3A_212, %mul3A_230 : i32
        %dma_start3A_232 = tpu.memref_slice %arg4[%add3A_231] : memref<2764800xi32, #tpu.memory_space<hbm>> -> memref<800xi32, #tpu.memory_space<hbm>>
        %dma_start3A_233 = tpu.memref_slice %arg4[%add3A_231] : memref<2764800xi32, #tpu.memory_space<hbm>> -> memref<800xi32, #tpu.memory_space<hbm>>
        tpu.enqueue_dma source(%dma_start3A_233 : memref<800xi32, #tpu.memory_space<hbm>>) target(%arg8 : memref<800xi32, #tpu.memory_space<vmem>>) target_semaphore(%arg15 : memref<!tpu.dma_semaphore, #tpu.memory_space<semaphore_mem>>)
      } else {
      }
      %dma_wait3A_113 = arith.constant 0 : i32
      %dma_wait3A_114 = tpu.memref_slice %arg3[%dma_wait3A_113] : memref<2764800xi32, #tpu.memory_space<hbm>> -> memref<800xi32, #tpu.memory_space<hbm>>
      %dma_wait3A_115 = arith.constant 0 : i32
      %dma_wait3A_116 = tpu.memref_slice %arg3[%dma_wait3A_115] : memref<2764800xi32, #tpu.memory_space<hbm>> -> memref<800xi32, #tpu.memory_space<hbm>>
      tpu.wait_dma2 semaphore(%arg16 : memref<!tpu.dma_semaphore, #tpu.memory_space<semaphore_mem>>) src(%dma_wait3A_116 : memref<800xi32, #tpu.memory_space<hbm>>) dst(%arg7 : memref<800xi32, #tpu.memory_space<vmem>>)
      %dma_wait3A_117 = arith.constant 0 : i32
      %dma_wait3A_118 = tpu.memref_slice %arg4[%dma_wait3A_117] : memref<2764800xi32, #tpu.memory_space<hbm>> -> memref<800xi32, #tpu.memory_space<hbm>>
      %dma_wait3A_119 = arith.constant 0 : i32
      %dma_wait3A_120 = tpu.memref_slice %arg4[%dma_wait3A_119] : memref<2764800xi32, #tpu.memory_space<hbm>> -> memref<800xi32, #tpu.memory_space<hbm>>
      tpu.wait_dma2 semaphore(%arg16 : memref<!tpu.dma_semaphore, #tpu.memory_space<semaphore_mem>>) src(%dma_wait3A_120 : memref<800xi32, #tpu.memory_space<hbm>>) dst(%arg9 : memref<800xi32, #tpu.memory_space<vmem>>)
      %scan3A_121 = arith.constant 0 : i32
      %scan3A_122 = arith.constant 0 : i32
      %scan3A_123 = arith.constant 50 : i32
      %scan3A_124 = arith.addi %scan3A_122, %scan3A_123 : i32
      %scan3A_125 = arith.constant 1 : i32
      scf.for %scan3A_135 = %scan3A_122 to %scan3A_124 step %scan3A_125  : i32 {
        %mul3A_136 = arith.constant 16 : i32
        %mul3A_137 = arith.muli %scan3A_135, %mul3A_136 : i32
        %get3A = arith.index_cast %mul3A_137 : i32 to index
        %get3A_138 = tpu.vector_load %arg9[%get3A] {strides = array<i32>} : memref<800xi32, #tpu.memory_space<vmem>>, vector<16xi32>,
        %get3A_139 = vector.shape_cast %get3A_138 : vector<16xi32> to vector<16xi32>
        %ne3A_140 = arith.constant 0 : i32
        %ne3A_141 = vector.broadcast %ne3A_140 : i32 to vector<16xi32>
        %ne3A_142 = arith.cmpi ne, %get3A_139, %ne3A_141 : vector<16xi32>
        %get3A_143 = arith.index_cast %mul3A_137 : i32 to index
        %get3A_144 = tpu.vector_load %arg7[%get3A_143] {strides = array<i32>} : memref<800xi32, #tpu.memory_space<vmem>>, vector<16xi32>,
        %get3A_145 = vector.shape_cast %get3A_144 : vector<16xi32> to vector<16xi32>
        %select_n3A_146 = arith.select %ne3A_142, %get3A_145, %add3A_19 : vector<16xi1>, vector<16xi32>
        %swap3A = arith.index_cast %mul3A_137 : i32 to index
        %swap3A_147 = tpu.vector_load %arg11[%swap3A] {strides = array<i32>} : memref<800xi32, #tpu.memory_space<vmem>>, vector<16xi32>,
        %swap3A_148 = vector.shape_cast %swap3A_147 : vector<16xi32> to vector<16xi32>
        %swap3A_149 = vector.shape_cast %select_n3A_146 : vector<16xi32> to vector<16xi32>
        tpu.vector_store %arg11[%swap3A], %swap3A_149 {strides = array<i32>} : memref<800xi32, #tpu.memory_space<vmem>>, vector<16xi32>,
      }
      %scan3A_126 = arith.constant 50 : i32
      %ge3A_127 = arith.constant 2 : i32
      %ge3A_128 = arith.cmpi sge, %add3A_100, %ge3A_127 : i32
      %convert_element_type3A_129 = arith.extui %ge3A_128 : i1 to i32
      %cond3A_130 = arith.constant 0 : i32
      %cond3A_131 = arith.cmpi ne, %convert_element_type3A_129, %cond3A_130 : i32
      scf.if %cond3A_131 {
        %sub3A = arith.constant 2 : i32
        %sub3A_135 = arith.subi %add3A_100, %sub3A : i32
        %jit3A_136 = arith.constant 2 : i32
        %eq3A_137 = arith.constant 0 : i32
        %eq3A_138 = arith.cmpi eq, %jit3A_136, %eq3A_137 : i32
        %jit3A_139 = arith.constant 1 : i32
        %select_n3A_140 = arith.select %eq3A_138, %jit3A_139, %jit3A_136 : i32
        %rem3A_141 = arith.remsi %sub3A_135, %select_n3A_140 : i32
        %ne3A_142 = arith.constant 0 : i32
        %ne3A_143 = arith.cmpi ne, %rem3A_141, %ne3A_142 : i32
        %lt3A_144 = arith.constant 0 : i32
        %lt3A_145 = arith.cmpi slt, %rem3A_141, %lt3A_144 : i32
        %lt3A_146 = arith.constant 0 : i32
        %lt3A_147 = arith.cmpi slt, %select_n3A_140, %lt3A_146 : i32
        %ne3A_148 = arith.xori %lt3A_145, %lt3A_147 : i1
        %and3A_149 = arith.andi %ne3A_148, %ne3A_143 : i1
        %add3A_150 = arith.addi %rem3A_141, %select_n3A_140 : i32
        %select_n3A_151 = arith.select %and3A_149, %add3A_150, %rem3A_141 : i32
        %mul3A_152 = arith.constant 800 : i32
        %mul3A_153 = arith.muli %select_n3A_151, %mul3A_152 : i32
        %add3A_154 = arith.addi %mul3A_2, %mul3A_153 : i32
        %jit3A_155 = arith.constant 2 : i32
        %div3A = arith.divsi %sub3A_135, %jit3A_155 : i32
        %sign3A = arith.constant 0 : i32
        %sign3A_156 = arith.cmpi sgt, %sub3A_135, %sign3A : i32
        %sign3A_157 = arith.extui %sign3A_156 : i1 to i32
        %sign3A_158 = arith.constant 0 : i32
        %sign3A_159 = arith.cmpi slt, %sub3A_135, %sign3A_158 : i32
        %sign3A_160 = arith.extui %sign3A_159 : i1 to i32
        %sign3A_161 = arith.subi %sign3A_157, %sign3A_160 : i32
        %sign3A_162 = arith.constant 0 : i32
        %sign3A_163 = arith.cmpi sgt, %jit3A_155, %sign3A_162 : i32
        %sign3A_164 = arith.extui %sign3A_163 : i1 to i32
        %sign3A_165 = arith.constant 0 : i32
        %sign3A_166 = arith.cmpi slt, %jit3A_155, %sign3A_165 : i32
        %sign3A_167 = arith.extui %sign3A_166 : i1 to i32
        %sign3A_168 = arith.subi %sign3A_164, %sign3A_167 : i32
        %ne3A_169 = arith.cmpi ne, %sign3A_161, %sign3A_168 : i32
        %rem3A_170 = arith.remsi %sub3A_135, %jit3A_155 : i32
        %ne3A_171 = arith.constant 0 : i32
        %ne3A_172 = arith.cmpi ne, %rem3A_170, %ne3A_171 : i32
        %and3A_173 = arith.andi %ne3A_169, %ne3A_172 : i1
        %sub3A_174 = arith.constant 1 : i32
        %sub3A_175 = arith.subi %div3A, %sub3A_174 : i32
        %select_n3A_176 = arith.select %and3A_173, %sub3A_175, %div3A : i32
        %mul3A_177 = arith.constant 16 : i32
        %mul3A_178 = arith.muli %select_n3A_176, %mul3A_177 : i32
        %dma_wait3A_179 = tpu.memref_slice %arg5[%add3A_154, %mul3A_178] : memref<51200x512xf32, #tpu.memory_space<hbm>> -> memref<800x16xf32, #tpu.memory_space<hbm>>
        %dma_wait3A_180 = tpu.memref_slice %arg5[%add3A_154, %mul3A_178] : memref<51200x512xf32, #tpu.memory_space<hbm>> -> memref<800x16xf32, #tpu.memory_space<hbm>>
        tpu.wait_dma2 semaphore(%arg20 : memref<!tpu.dma_semaphore, #tpu.memory_space<semaphore_mem>>) src(%arg13 : memref<800x16xf32, #tpu.memory_space<vmem>>) dst(%dma_wait3A_180 : memref<800x16xf32, #tpu.memory_space<hbm>>)
      } else {
      }
      %dma_start3A_132 = arith.constant 0 : i32
      %dma_start3A_133 = arith.constant 0 : i32
      %dma_start3A_134 = tpu.memref_slice %arg14[%dma_start3A_132, %dma_start3A_133] : memref<100128x16xf32, #tpu.memory_space<vmem_shared>> -> memref<100128x16xf32, #tpu.memory_space<vmem_shared>>
      tpu.enqueue_indirect_dma source(%dma_start3A_134 : memref<100128x16xf32, #tpu.memory_space<vmem_shared>>) target(%arg13 : memref<800x16xf32, #tpu.memory_space<vmem>>) offsets(%arg11 : memref<800xi32, #tpu.memory_space<vmem>>) semaphore(%arg18 : memref<!tpu.dma_semaphore, #tpu.memory_space<semaphore_mem>>)
    }
    %scan3A_38 = arith.constant 27 : i32
    %dma_wait3A = arith.constant 0 : i32
    %dma_wait3A_39 = arith.constant 0 : i32
    %dma_wait3A_40 = tpu.memref_slice %arg14[%dma_wait3A, %dma_wait3A_39] : memref<100128x16xf32, #tpu.memory_space<vmem_shared>> -> memref<100128x16xf32, #tpu.memory_space<vmem_shared>>
    tpu.wait_indirect_dma semaphore(%arg18 : memref<!tpu.dma_semaphore, #tpu.memory_space<semaphore_mem>>) src(%dma_wait3A_40 : memref<100128x16xf32, #tpu.memory_space<vmem_shared>>) dst(%arg13 : memref<800x16xf32, #tpu.memory_space<vmem>>)
    %add3A_41 = arith.constant 800 : i32
    %add3A_42 = arith.addi %mul3A_2, %add3A_41 : i32
    %dma_start3A_43 = arith.constant 416 : i32
    %dma_start3A_44 = tpu.memref_slice %arg5[%add3A_42, %dma_start3A_43] : memref<51200x512xf32, #tpu.memory_space<hbm>> -> memref<800x16xf32, #tpu.memory_space<hbm>>
    %dma_start3A_45 = arith.constant 416 : i32
    %dma_start3A_46 = tpu.memref_slice %arg5[%add3A_42, %dma_start3A_45] : memref<51200x512xf32, #tpu.memory_space<hbm>> -> memref<800x16xf32, #tpu.memory_space<hbm>>
    tpu.enqueue_dma source(%arg13 : memref<800x16xf32, #tpu.memory_space<vmem>>) target(%dma_start3A_46 : memref<800x16xf32, #tpu.memory_space<hbm>>) target_semaphore(%arg20 : memref<!tpu.dma_semaphore, #tpu.memory_space<semaphore_mem>>)
    %add3A_47 = arith.constant 0 : i32
    %add3A_48 = arith.addi %mul3A_2, %add3A_47 : i32
    %dma_wait3A_49 = arith.constant 416 : i32
    %dma_wait3A_50 = tpu.memref_slice %arg5[%add3A_48, %dma_wait3A_49] : memref<51200x512xf32, #tpu.memory_space<hbm>> -> memref<800x16xf32, #tpu.memory_space<hbm>>
    %dma_wait3A_51 = arith.constant 416 : i32
    %dma_wait3A_52 = tpu.memref_slice %arg5[%add3A_48, %dma_wait3A_51] : memref<51200x512xf32, #tpu.memory_space<hbm>> -> memref<800x16xf32, #tpu.memory_space<hbm>>
    tpu.wait_dma2 semaphore(%arg19 : memref<!tpu.dma_semaphore, #tpu.memory_space<semaphore_mem>>) src(%arg12 : memref<800x16xf32, #tpu.memory_space<vmem>>) dst(%dma_wait3A_52 : memref<800x16xf32, #tpu.memory_space<hbm>>)
    %add3A_53 = arith.constant 800 : i32
    %add3A_54 = arith.addi %mul3A_2, %add3A_53 : i32
    %dma_wait3A_55 = arith.constant 416 : i32
    %dma_wait3A_56 = tpu.memref_slice %arg5[%add3A_54, %dma_wait3A_55] : memref<51200x512xf32, #tpu.memory_space<hbm>> -> memref<800x16xf32, #tpu.memory_space<hbm>>
    %dma_wait3A_57 = arith.constant 416 : i32
    %dma_wait3A_58 = tpu.memref_slice %arg5[%add3A_54, %dma_wait3A_57] : memref<51200x512xf32, #tpu.memory_space<hbm>> -> memref<800x16xf32, #tpu.memory_space<hbm>>
    tpu.wait_dma2 semaphore(%arg20 : memref<!tpu.dma_semaphore, #tpu.memory_space<semaphore_mem>>) src(%arg13 : memref<800x16xf32, #tpu.memory_space<vmem>>) dst(%dma_wait3A_58 : memref<800x16xf32, #tpu.memory_space<hbm>>)
    return
  }
}

#map = affine_map<(d0, d1) -> (0, 0)>
#map1 = affine_map<(d0, d1) -> (0)>
module attributes {stable_mosaic.version = 14 : i64} {
  func.func @body(%arg0: i32, %arg1: i32, %arg2: memref<100128x16xf32, #tpu.memory_space<hbm>>, %arg3: memref<2764800xi32, #tpu.memory_space<hbm>>, %arg4: memref<2764800xi32, #tpu.memory_space<hbm>>, %arg5: memref<51200x512xf32, #tpu.memory_space<hbm>>, %arg6: memref<800xi32, #tpu.memory_space<vmem>>, %arg7: memref<800xi32, #tpu.memory_space<vmem>>, %arg8: memref<800xi32, #tpu.memory_space<vmem>>, %arg9: memref<800xi32, #tpu.memory_space<vmem>>, %arg10: memref<800xi32, #tpu.memory_space<vmem>>, %arg11: memref<800xi32, #tpu.memory_space<vmem>>, %arg12: memref<800x16xf32, #tpu.memory_space<vmem>>, %arg13: memref<800x16xf32, #tpu.memory_space<vmem>>, %arg14: memref<100128x16xf32, #tpu.memory_space<vmem_shared>>, %arg15: memref<!tpu.dma_semaphore, #tpu.memory_space<semaphore_mem>>, %arg16: memref<!tpu.dma_semaphore, #tpu.memory_space<semaphore_mem>>, %arg17: memref<!tpu.dma_semaphore, #tpu.memory_space<semaphore_mem>>, %arg18: memref<!tpu.dma_semaphore, #tpu.memory_space<semaphore_mem>>, %arg19: memref<!tpu.dma_semaphore, #tpu.memory_space<semaphore_mem>>, %arg20: memref<!tpu.dma_semaphore, #tpu.memory_space<semaphore_mem>>) attributes {dimension_semantics = [#tpu.dimension_semantics<core_parallel>, #tpu.dimension_semantics<subcore_parallel>], iteration_bounds = array<i64: 2, 16>, scalar_prefetch = 0 : i64, scratch_operands = 15 : i64, tpu.core_type = #tpu.core_type<sc_vector_subcore>, window_params = [{transform_indices = #map}, {transform_indices = #map1}, {transform_indices = #map1}, {transform_indices = #map}]} {
    %mul3A = arith.constant 2 : i32
    %mul3A_0 = arith.muli %arg1, %mul3A : i32
    %add3A = arith.addi %mul3A_0, %arg0 : i32
    %mul3A_1 = arith.constant 1600 : i32
    %mul3A_2 = arith.muli %add3A, %mul3A_1 : i32
    %iota3A = tpu.iota {dimensions = array<i32: 0>} : vector<16xi32>
    %mul3A_3 = arith.constant 8 : i32
    %mul3A_4 = vector.broadcast %mul3A_3 : i32 to vector<16xi32>
    %mul3A_5 = arith.muli %iota3A, %mul3A_4 : vector<16xi32>
    %add3A_6 = arith.constant 100000 : i32
    %add3A_7 = vector.broadcast %add3A_6 : i32 to vector<16xi32>
    %add3A_8 = arith.addi %add3A_7, %mul3A_5 : vector<16xi32>
    %jit3A = arith.constant 8 : i32
    %eq3A = arith.constant 0 : i32
    %eq3A_9 = arith.cmpi eq, %jit3A, %eq3A : i32
    %jit3A_10 = arith.constant 1 : i32
    %select_n3A = arith.select %eq3A_9, %jit3A_10, %jit3A : i32
    %rem3A = arith.remsi %add3A, %select_n3A : i32
    %ne3A = arith.constant 0 : i32
    %ne3A_11 = arith.cmpi ne, %rem3A, %ne3A : i32
    %lt3A = arith.constant 0 : i32
    %lt3A_12 = arith.cmpi slt, %rem3A, %lt3A : i32
    %lt3A_13 = arith.constant 0 : i32
    %lt3A_14 = arith.cmpi slt, %select_n3A, %lt3A_13 : i32
    %ne3A_15 = arith.xori %lt3A_12, %lt3A_14 : i1
    %and3A = arith.andi %ne3A_15, %ne3A_11 : i1
    %add3A_16 = arith.addi %rem3A, %select_n3A : i32
    %select_n3A_17 = arith.select %and3A, %add3A_16, %rem3A : i32
    %add3A_18 = vector.broadcast %select_n3A_17 : i32 to vector<16xi32>
    %add3A_19 = arith.addi %add3A_8, %add3A_18 : vector<16xi32>
    %eq3A_20 = arith.constant 0 : i32
    %eq3A_21 = arith.cmpi eq, %arg1, %eq3A_20 : i32
    %convert_element_type3A = arith.extui %eq3A_21 : i1 to i32
    %cond3A = arith.constant 0 : i32
    %cond3A_22 = arith.cmpi ne, %convert_element_type3A, %cond3A : i32
    scf.if %cond3A_22 {
      "tpu.region"() ({
        %run_scoped3A = tpu.sem_alloc : memref<!tpu.dma_semaphore, #tpu.memory_space<semaphore_mem>>
        tpu.enqueue_dma source(%arg2 : memref<100128x16xf32, #tpu.memory_space<hbm>>) target(%arg14 : memref<100128x16xf32, #tpu.memory_space<vmem_shared>>) target_semaphore(%run_scoped3A : memref<!tpu.dma_semaphore, #tpu.memory_space<semaphore_mem>>)
        tpu.wait_dma2 semaphore(%run_scoped3A : memref<!tpu.dma_semaphore, #tpu.memory_space<semaphore_mem>>) src(%arg2 : memref<100128x16xf32, #tpu.memory_space<hbm>>) dst(%arg14 : memref<100128x16xf32, #tpu.memory_space<vmem_shared>>)
        tpu.yield
      }) : () -> ()
    } else {
    }
    %barrier3A = arith.constant 0 : index
    tpu.barrier barrier_id(%barrier3A)
    %add3A_23 = arith.constant 0 : i32
    %add3A_24 = arith.addi %add3A_23, %mul3A_2 : i32
    %add3A_25 = arith.constant 0 : i32
    %add3A_26 = arith.addi %add3A_24, %add3A_25 : i32
    %dma_start3A = tpu.memref_slice %arg3[%add3A_26] : memref<2764800xi32, #tpu.memory_space<hbm>> -> memref<800xi32, #tpu.memory_space<hbm>>
    %dma_start3A_27 = tpu.memref_slice %arg3[%add3A_26] : memref<2764800xi32, #tpu.memory_space<hbm>> -> memref<800xi32, #tpu.memory_space<hbm>>
    tpu.enqueue_dma source(%dma_start3A_27 : memref<800xi32, #tpu.memory_space<hbm>>) target(%arg6 : memref<800xi32, #tpu.memory_space<vmem>>) target_semaphore(%arg15 : memref<!tpu.dma_semaphore, #tpu.memory_space<semaphore_mem>>)
    %add3A_28 = arith.constant 0 : i32
    %add3A_29 = arith.addi %add3A_28, %mul3A_2 : i32
    %add3A_30 = arith.constant 0 : i32
    %add3A_31 = arith.addi %add3A_29, %add3A_30 : i32
    %dma_start3A_32 = tpu.memref_slice %arg4[%add3A_31] : memref<2764800xi32, #tpu.memory_space<hbm>> -> memref<800xi32, #tpu.memory_space<hbm>>
    %dma_start3A_33 = tpu.memref_slice %arg4[%add3A_31] : memref<2764800xi32, #tpu.memory_space<hbm>> -> memref<800xi32, #tpu.memory_space<hbm>>
    tpu.enqueue_dma source(%dma_start3A_33 : memref<800xi32, #tpu.memory_space<hbm>>) target(%arg8 : memref<800xi32, #tpu.memory_space<vmem>>) target_semaphore(%arg15 : memref<!tpu.dma_semaphore, #tpu.memory_space<semaphore_mem>>)
    %scan3A = arith.constant 0 : i32
    %scan3A_34 = arith.constant 0 : i32
    %scan3A_35 = arith.constant 27 : i32
    %scan3A_36 = arith.addi %scan3A_34, %scan3A_35 : i32
    %scan3A_37 = arith.constant 1 : i32
    scf.for %scan3A_59 = %scan3A_34 to %scan3A_36 step %scan3A_37  : i32 {
      %mul3A_60 = arith.constant 2 : i32
      %mul3A_61 = arith.muli %scan3A_59, %mul3A_60 : i32
      %add3A_62 = arith.constant 0 : i32
      %add3A_63 = arith.addi %mul3A_61, %add3A_62 : i32
      %ge3A = arith.constant 1 : i32
      %ge3A_64 = arith.cmpi sge, %add3A_63, %ge3A : i32
      %convert_element_type3A_65 = arith.extui %ge3A_64 : i1 to i32
      %cond3A_66 = arith.constant 0 : i32
      %cond3A_67 = arith.cmpi ne, %convert_element_type3A_65, %cond3A_66 : i32
      scf.if %cond3A_67 {
        %dma_wait3A_135 = arith.constant 0 : i32
        %dma_wait3A_136 = arith.constant 0 : i32
        %dma_wait3A_137 = tpu.memref_slice %arg14[%dma_wait3A_135, %dma_wait3A_136] : memref<100128x16xf32, #tpu.memory_space<vmem_shared>> -> memref<100128x16xf32, #tpu.memory_space<vmem_shared>>
        tpu.wait_indirect_dma semaphore(%arg18 : memref<!tpu.dma_semaphore, #tpu.memory_space<semaphore_mem>>) src(%dma_wait3A_137 : memref<100128x16xf32, #tpu.memory_space<vmem_shared>>) dst(%arg13 : memref<800x16xf32, #tpu.memory_space<vmem>>)
        %sub3A = arith.constant 1 : i32
        %sub3A_138 = arith.subi %add3A_63, %sub3A : i32
        %jit3A_139 = arith.constant 2 : i32
        %eq3A_140 = arith.constant 0 : i32
        %eq3A_141 = arith.cmpi eq, %jit3A_139, %eq3A_140 : i32
        %jit3A_142 = arith.constant 1 : i32
        %select_n3A_143 = arith.select %eq3A_141, %jit3A_142, %jit3A_139 : i32
        %rem3A_144 = arith.remsi %sub3A_138, %select_n3A_143 : i32
        %ne3A_145 = arith.constant 0 : i32
        %ne3A_146 = arith.cmpi ne, %rem3A_144, %ne3A_145 : i32
        %lt3A_147 = arith.constant 0 : i32
        %lt3A_148 = arith.cmpi slt, %rem3A_144, %lt3A_147 : i32
        %lt3A_149 = arith.constant 0 : i32
        %lt3A_150 = arith.cmpi slt, %select_n3A_143, %lt3A_149 : i32
        %ne3A_151 = arith.xori %lt3A_148, %lt3A_150 : i1
        %and3A_152 = arith.andi %ne3A_151, %ne3A_146 : i1
        %add3A_153 = arith.addi %rem3A_144, %select_n3A_143 : i32
        %select_n3A_154 = arith.select %and3A_152, %add3A_153, %rem3A_144 : i32
        %mul3A_155 = arith.constant 800 : i32
        %mul3A_156 = arith.muli %select_n3A_154, %mul3A_155 : i32
        %add3A_157 = arith.addi %mul3A_2, %mul3A_156 : i32
        %jit3A_158 = arith.constant 2 : i32
        %div3A = arith.divsi %sub3A_138, %jit3A_158 : i32
        %sign3A = arith.constant 0 : i32
        %sign3A_159 = arith.cmpi sgt, %sub3A_138, %sign3A : i32
        %sign3A_160 = arith.extui %sign3A_159 : i1 to i32
        %sign3A_161 = arith.constant 0 : i32
        %sign3A_162 = arith.cmpi slt, %sub3A_138, %sign3A_161 : i32
        %sign3A_163 = arith.extui %sign3A_162 : i1 to i32
        %sign3A_164 = arith.subi %sign3A_160, %sign3A_163 : i32
        %sign3A_165 = arith.constant 0 : i32
        %sign3A_166 = arith.cmpi sgt, %jit3A_158, %sign3A_165 : i32
        %sign3A_167 = arith.extui %sign3A_166 : i1 to i32
        %sign3A_168 = arith.constant 0 : i32
        %sign3A_169 = arith.cmpi slt, %jit3A_158, %sign3A_168 : i32
        %sign3A_170 = arith.extui %sign3A_169 : i1 to i32
        %sign3A_171 = arith.subi %sign3A_167, %sign3A_170 : i32
        %ne3A_172 = arith.cmpi ne, %sign3A_164, %sign3A_171 : i32
        %rem3A_173 = arith.remsi %sub3A_138, %jit3A_158 : i32
        %ne3A_174 = arith.constant 0 : i32
        %ne3A_175 = arith.cmpi ne, %rem3A_173, %ne3A_174 : i32
        %and3A_176 = arith.andi %ne3A_172, %ne3A_175 : i1
        %sub3A_177 = arith.constant 1 : i32
        %sub3A_178 = arith.subi %div3A, %sub3A_177 : i32
        %select_n3A_179 = arith.select %and3A_176, %sub3A_178, %div3A : i32
        %mul3A_180 = arith.constant 16 : i32
        %mul3A_181 = arith.muli %select_n3A_179, %mul3A_180 : i32
        %dma_start3A_182 = tpu.memref_slice %arg5[%add3A_157, %mul3A_181] : memref<51200x512xf32, #tpu.memory_space<hbm>> -> memref<800x16xf32, #tpu.memory_space<hbm>>
        %dma_start3A_183 = tpu.memref_slice %arg5[%add3A_157, %mul3A_181] : memref<51200x512xf32, #tpu.memory_space<hbm>> -> memref<800x16xf32, #tpu.memory_space<hbm>>
        tpu.enqueue_dma source(%arg13 : memref<800x16xf32, #tpu.memory_space<vmem>>) target(%dma_start3A_183 : memref<800x16xf32, #tpu.memory_space<hbm>>) target_semaphore(%arg20 : memref<!tpu.dma_semaphore, #tpu.memory_space<semaphore_mem>>)
      } else {
      }
      %add3A_68 = arith.constant 1 : i32
      %add3A_69 = arith.addi %add3A_63, %add3A_68 : i32
      %lt3A_70 = arith.constant 54 : i32
      %lt3A_71 = arith.cmpi slt, %add3A_69, %lt3A_70 : i32
      %convert_element_type3A_72 = arith.extui %lt3A_71 : i1 to i32
      %cond3A_73 = arith.constant 0 : i32
      %cond3A_74 = arith.cmpi ne, %convert_element_type3A_72, %cond3A_73 : i32
      scf.if %cond3A_74 {
        %add3A_135 = arith.constant 1 : i32
        %add3A_136 = arith.addi %add3A_63, %add3A_135 : i32
        %jit3A_137 = arith.constant 2 : i32
        %div3A = arith.divsi %add3A_136, %jit3A_137 : i32
        %sign3A = arith.constant 0 : i32
        %sign3A_138 = arith.cmpi sgt, %add3A_136, %sign3A : i32
        %sign3A_139 = arith.extui %sign3A_138 : i1 to i32
        %sign3A_140 = arith.constant 0 : i32
        %sign3A_141 = arith.cmpi slt, %add3A_136, %sign3A_140 : i32
        %sign3A_142 = arith.extui %sign3A_141 : i1 to i32
        %sign3A_143 = arith.subi %sign3A_139, %sign3A_142 : i32
        %sign3A_144 = arith.constant 0 : i32
        %sign3A_145 = arith.cmpi sgt, %jit3A_137, %sign3A_144 : i32
        %sign3A_146 = arith.extui %sign3A_145 : i1 to i32
        %sign3A_147 = arith.constant 0 : i32
        %sign3A_148 = arith.cmpi slt, %jit3A_137, %sign3A_147 : i32
        %sign3A_149 = arith.extui %sign3A_148 : i1 to i32
        %sign3A_150 = arith.subi %sign3A_146, %sign3A_149 : i32
        %ne3A_151 = arith.cmpi ne, %sign3A_143, %sign3A_150 : i32
        %rem3A_152 = arith.remsi %add3A_136, %jit3A_137 : i32
        %ne3A_153 = arith.constant 0 : i32
        %ne3A_154 = arith.cmpi ne, %rem3A_152, %ne3A_153 : i32
        %and3A_155 = arith.andi %ne3A_151, %ne3A_154 : i1
        %sub3A = arith.constant 1 : i32
        %sub3A_156 = arith.subi %div3A, %sub3A : i32
        %select_n3A_157 = arith.select %and3A_155, %sub3A_156, %div3A : i32
        %mul3A_158 = arith.constant 102400 : i32
        %mul3A_159 = arith.muli %select_n3A_157, %mul3A_158 : i32
        %add3A_160 = arith.constant 0 : i32
        %add3A_161 = arith.addi %mul3A_159, %add3A_160 : i32
        %add3A_162 = arith.addi %add3A_161, %mul3A_2 : i32
        %jit3A_163 = arith.constant 2 : i32
        %eq3A_164 = arith.constant 0 : i32
        %eq3A_165 = arith.cmpi eq, %jit3A_163, %eq3A_164 : i32
        %jit3A_166 = arith.constant 1 : i32
        %select_n3A_167 = arith.select %eq3A_165, %jit3A_166, %jit3A_163 : i32
        %rem3A_168 = arith.remsi %add3A_136, %select_n3A_167 : i32
        %ne3A_169 = arith.constant 0 : i32
        %ne3A_170 = arith.cmpi ne, %rem3A_168, %ne3A_169 : i32
        %lt3A_171 = arith.constant 0 : i32
        %lt3A_172 = arith.cmpi slt, %rem3A_168, %lt3A_171 : i32
        %lt3A_173 = arith.constant 0 : i32
        %lt3A_174 = arith.cmpi slt, %select_n3A_167, %lt3A_173 : i32
        %ne3A_175 = arith.xori %lt3A_172, %lt3A_174 : i1
        %and3A_176 = arith.andi %ne3A_175, %ne3A_170 : i1
        %add3A_177 = arith.addi %rem3A_168, %select_n3A_167 : i32
        %select_n3A_178 = arith.select %and3A_176, %add3A_177, %rem3A_168 : i32
        %mul3A_179 = arith.constant 800 : i32
        %mul3A_180 = arith.muli %select_n3A_178, %mul3A_179 : i32
        %add3A_181 = arith.addi %add3A_162, %mul3A_180 : i32
        %dma_start3A_182 = tpu.memref_slice %arg3[%add3A_181] : memref<2764800xi32, #tpu.memory_space<hbm>> -> memref<800xi32, #tpu.memory_space<hbm>>
        %dma_start3A_183 = tpu.memref_slice %arg3[%add3A_181] : memref<2764800xi32, #tpu.memory_space<hbm>> -> memref<800xi32, #tpu.memory_space<hbm>>
        tpu.enqueue_dma source(%dma_start3A_183 : memref<800xi32, #tpu.memory_space<hbm>>) target(%arg7 : memref<800xi32, #tpu.memory_space<vmem>>) target_semaphore(%arg16 : memref<!tpu.dma_semaphore, #tpu.memory_space<semaphore_mem>>)
        %jit3A_184 = arith.constant 2 : i32
        %div3A_185 = arith.divsi %add3A_136, %jit3A_184 : i32
        %sign3A_186 = arith.constant 0 : i32
        %sign3A_187 = arith.cmpi sgt, %add3A_136, %sign3A_186 : i32
        %sign3A_188 = arith.extui %sign3A_187 : i1 to i32
        %sign3A_189 = arith.constant 0 : i32
        %sign3A_190 = arith.cmpi slt, %add3A_136, %sign3A_189 : i32
        %sign3A_191 = arith.extui %sign3A_190 : i1 to i32
        %sign3A_192 = arith.subi %sign3A_188, %sign3A_191 : i32
        %sign3A_193 = arith.constant 0 : i32
        %sign3A_194 = arith.cmpi sgt, %jit3A_184, %sign3A_193 : i32
        %sign3A_195 = arith.extui %sign3A_194 : i1 to i32
        %sign3A_196 = arith.constant 0 : i32
        %sign3A_197 = arith.cmpi slt, %jit3A_184, %sign3A_196 : i32
        %sign3A_198 = arith.extui %sign3A_197 : i1 to i32
        %sign3A_199 = arith.subi %sign3A_195, %sign3A_198 : i32
        %ne3A_200 = arith.cmpi ne, %sign3A_192, %sign3A_199 : i32
        %rem3A_201 = arith.remsi %add3A_136, %jit3A_184 : i32
        %ne3A_202 = arith.constant 0 : i32
        %ne3A_203 = arith.cmpi ne, %rem3A_201, %ne3A_202 : i32
        %and3A_204 = arith.andi %ne3A_200, %ne3A_203 : i1
        %sub3A_205 = arith.constant 1 : i32
        %sub3A_206 = arith.subi %div3A_185, %sub3A_205 : i32
        %select_n3A_207 = arith.select %and3A_204, %sub3A_206, %div3A_185 : i32
        %mul3A_208 = arith.constant 102400 : i32
        %mul3A_209 = arith.muli %select_n3A_207, %mul3A_208 : i32
        %add3A_210 = arith.constant 0 : i32
        %add3A_211 = arith.addi %mul3A_209, %add3A_210 : i32
        %add3A_212 = arith.addi %add3A_211, %mul3A_2 : i32
        %jit3A_213 = arith.constant 2 : i32
        %eq3A_214 = arith.constant 0 : i32
        %eq3A_215 = arith.cmpi eq, %jit3A_213, %eq3A_214 : i32
        %jit3A_216 = arith.constant 1 : i32
        %select_n3A_217 = arith.select %eq3A_215, %jit3A_216, %jit3A_213 : i32
        %rem3A_218 = arith.remsi %add3A_136, %select_n3A_217 : i32
        %ne3A_219 = arith.constant 0 : i32
        %ne3A_220 = arith.cmpi ne, %rem3A_218, %ne3A_219 : i32
        %lt3A_221 = arith.constant 0 : i32
        %lt3A_222 = arith.cmpi slt, %rem3A_218, %lt3A_221 : i32
        %lt3A_223 = arith.constant 0 : i32
        %lt3A_224 = arith.cmpi slt, %select_n3A_217, %lt3A_223 : i32
        %ne3A_225 = arith.xori %lt3A_222, %lt3A_224 : i1
        %and3A_226 = arith.andi %ne3A_225, %ne3A_220 : i1
        %add3A_227 = arith.addi %rem3A_218, %select_n3A_217 : i32
        %select_n3A_228 = arith.select %and3A_226, %add3A_227, %rem3A_218 : i32
        %mul3A_229 = arith.constant 800 : i32
        %mul3A_230 = arith.muli %select_n3A_228, %mul3A_229 : i32
        %add3A_231 = arith.addi %add3A_212, %mul3A_230 : i32
        %dma_start3A_232 = tpu.memref_slice %arg4[%add3A_231] : memref<2764800xi32, #tpu.memory_space<hbm>> -> memref<800xi32, #tpu.memory_space<hbm>>
        %dma_start3A_233 = tpu.memref_slice %arg4[%add3A_231] : memref<2764800xi32, #tpu.memory_space<hbm>> -> memref<800xi32, #tpu.memory_space<hbm>>
        tpu.enqueue_dma source(%dma_start3A_233 : memref<800xi32, #tpu.memory_space<hbm>>) target(%arg9 : memref<800xi32, #tpu.memory_space<vmem>>) target_semaphore(%arg16 : memref<!tpu.dma_semaphore, #tpu.memory_space<semaphore_mem>>)
      } else {
      }
      %dma_wait3A_75 = arith.constant 0 : i32
      %dma_wait3A_76 = tpu.memref_slice %arg3[%dma_wait3A_75] : memref<2764800xi32, #tpu.memory_space<hbm>> -> memref<800xi32, #tpu.memory_space<hbm>>
      %dma_wait3A_77 = arith.constant 0 : i32
      %dma_wait3A_78 = tpu.memref_slice %arg3[%dma_wait3A_77] : memref<2764800xi32, #tpu.memory_space<hbm>> -> memref<800xi32, #tpu.memory_space<hbm>>
      tpu.wait_dma2 semaphore(%arg15 : memref<!tpu.dma_semaphore, #tpu.memory_space<semaphore_mem>>) src(%dma_wait3A_78 : memref<800xi32, #tpu.memory_space<hbm>>) dst(%arg6 : memref<800xi32, #tpu.memory_space<vmem>>)
      %dma_wait3A_79 = arith.constant 0 : i32
      %dma_wait3A_80 = tpu.memref_slice %arg4[%dma_wait3A_79] : memref<2764800xi32, #tpu.memory_space<hbm>> -> memref<800xi32, #tpu.memory_space<hbm>>
      %dma_wait3A_81 = arith.constant 0 : i32
      %dma_wait3A_82 = tpu.memref_slice %arg4[%dma_wait3A_81] : memref<2764800xi32, #tpu.memory_space<hbm>> -> memref<800xi32, #tpu.memory_space<hbm>>
      tpu.wait_dma2 semaphore(%arg15 : memref<!tpu.dma_semaphore, #tpu.memory_space<semaphore_mem>>) src(%dma_wait3A_82 : memref<800xi32, #tpu.memory_space<hbm>>) dst(%arg8 : memref<800xi32, #tpu.memory_space<vmem>>)
      %scan3A_83 = arith.constant 0 : i32
      %scan3A_84 = arith.constant 0 : i32
      %scan3A_85 = arith.constant 50 : i32
      %scan3A_86 = arith.addi %scan3A_84, %scan3A_85 : i32
      %scan3A_87 = arith.constant 1 : i32
      scf.for %scan3A_135 = %scan3A_84 to %scan3A_86 step %scan3A_87  : i32 {
        %mul3A_136 = arith.constant 16 : i32
        %mul3A_137 = arith.muli %scan3A_135, %mul3A_136 : i32
        %get3A = arith.index_cast %mul3A_137 : i32 to index
        %get3A_138 = tpu.vector_load %arg8[%get3A] {strides = array<i32>} : memref<800xi32, #tpu.memory_space<vmem>>, vector<16xi32>,
        %get3A_139 = vector.shape_cast %get3A_138 : vector<16xi32> to vector<16xi32>
        %ne3A_140 = arith.constant 0 : i32
        %ne3A_141 = vector.broadcast %ne3A_140 : i32 to vector<16xi32>
        %ne3A_142 = arith.cmpi ne, %get3A_139, %ne3A_141 : vector<16xi32>
        %get3A_143 = arith.index_cast %mul3A_137 : i32 to index
        %get3A_144 = tpu.vector_load %arg6[%get3A_143] {strides = array<i32>} : memref<800xi32, #tpu.memory_space<vmem>>, vector<16xi32>,
        %get3A_145 = vector.shape_cast %get3A_144 : vector<16xi32> to vector<16xi32>
        %select_n3A_146 = arith.select %ne3A_142, %get3A_145, %add3A_19 : vector<16xi1>, vector<16xi32>
        %swap3A = arith.index_cast %mul3A_137 : i32 to index
        %swap3A_147 = tpu.vector_load %arg10[%swap3A] {strides = array<i32>} : memref<800xi32, #tpu.memory_space<vmem>>, vector<16xi32>,
        %swap3A_148 = vector.shape_cast %swap3A_147 : vector<16xi32> to vector<16xi32>
        %swap3A_149 = vector.shape_cast %select_n3A_146 : vector<16xi32> to vector<16xi32>
        tpu.vector_store %arg10[%swap3A], %swap3A_149 {strides = array<i32>} : memref<800xi32, #tpu.memory_space<vmem>>, vector<16xi32>,
      }
      %scan3A_88 = arith.constant 50 : i32
      %ge3A_89 = arith.constant 2 : i32
      %ge3A_90 = arith.cmpi sge, %add3A_63, %ge3A_89 : i32
      %convert_element_type3A_91 = arith.extui %ge3A_90 : i1 to i32
      %cond3A_92 = arith.constant 0 : i32
      %cond3A_93 = arith.cmpi ne, %convert_element_type3A_91, %cond3A_92 : i32
      scf.if %cond3A_93 {
        %sub3A = arith.constant 2 : i32
        %sub3A_135 = arith.subi %add3A_63, %sub3A : i32
        %jit3A_136 = arith.constant 2 : i32
        %eq3A_137 = arith.constant 0 : i32
        %eq3A_138 = arith.cmpi eq, %jit3A_136, %eq3A_137 : i32
        %jit3A_139 = arith.constant 1 : i32
        %select_n3A_140 = arith.select %eq3A_138, %jit3A_139, %jit3A_136 : i32
        %rem3A_141 = arith.remsi %sub3A_135, %select_n3A_140 : i32
        %ne3A_142 = arith.constant 0 : i32
        %ne3A_143 = arith.cmpi ne, %rem3A_141, %ne3A_142 : i32
        %lt3A_144 = arith.constant 0 : i32
        %lt3A_145 = arith.cmpi slt, %rem3A_141, %lt3A_144 : i32
        %lt3A_146 = arith.constant 0 : i32
        %lt3A_147 = arith.cmpi slt, %select_n3A_140, %lt3A_146 : i32
        %ne3A_148 = arith.xori %lt3A_145, %lt3A_147 : i1
        %and3A_149 = arith.andi %ne3A_148, %ne3A_143 : i1
        %add3A_150 = arith.addi %rem3A_141, %select_n3A_140 : i32
        %select_n3A_151 = arith.select %and3A_149, %add3A_150, %rem3A_141 : i32
        %mul3A_152 = arith.constant 800 : i32
        %mul3A_153 = arith.muli %select_n3A_151, %mul3A_152 : i32
        %add3A_154 = arith.addi %mul3A_2, %mul3A_153 : i32
        %jit3A_155 = arith.constant 2 : i32
        %div3A = arith.divsi %sub3A_135, %jit3A_155 : i32
        %sign3A = arith.constant 0 : i32
        %sign3A_156 = arith.cmpi sgt, %sub3A_135, %sign3A : i32
        %sign3A_157 = arith.extui %sign3A_156 : i1 to i32
        %sign3A_158 = arith.constant 0 : i32
        %sign3A_159 = arith.cmpi slt, %sub3A_135, %sign3A_158 : i32
        %sign3A_160 = arith.extui %sign3A_159 : i1 to i32
        %sign3A_161 = arith.subi %sign3A_157, %sign3A_160 : i32
        %sign3A_162 = arith.constant 0 : i32
        %sign3A_163 = arith.cmpi sgt, %jit3A_155, %sign3A_162 : i32
        %sign3A_164 = arith.extui %sign3A_163 : i1 to i32
        %sign3A_165 = arith.constant 0 : i32
        %sign3A_166 = arith.cmpi slt, %jit3A_155, %sign3A_165 : i32
        %sign3A_167 = arith.extui %sign3A_166 : i1 to i32
        %sign3A_168 = arith.subi %sign3A_164, %sign3A_167 : i32
        %ne3A_169 = arith.cmpi ne, %sign3A_161, %sign3A_168 : i32
        %rem3A_170 = arith.remsi %sub3A_135, %jit3A_155 : i32
        %ne3A_171 = arith.constant 0 : i32
        %ne3A_172 = arith.cmpi ne, %rem3A_170, %ne3A_171 : i32
        %and3A_173 = arith.andi %ne3A_169, %ne3A_172 : i1
        %sub3A_174 = arith.constant 1 : i32
        %sub3A_175 = arith.subi %div3A, %sub3A_174 : i32
        %select_n3A_176 = arith.select %and3A_173, %sub3A_175, %div3A : i32
        %mul3A_177 = arith.constant 16 : i32
        %mul3A_178 = arith.muli %select_n3A_176, %mul3A_177 : i32
        %dma_wait3A_179 = tpu.memref_slice %arg5[%add3A_154, %mul3A_178] : memref<51200x512xf32, #tpu.memory_space<hbm>> -> memref<800x16xf32, #tpu.memory_space<hbm>>
        %dma_wait3A_180 = tpu.memref_slice %arg5[%add3A_154, %mul3A_178] : memref<51200x512xf32, #tpu.memory_space<hbm>> -> memref<800x16xf32, #tpu.memory_space<hbm>>
        tpu.wait_dma2 semaphore(%arg19 : memref<!tpu.dma_semaphore, #tpu.memory_space<semaphore_mem>>) src(%arg12 : memref<800x16xf32, #tpu.memory_space<vmem>>) dst(%dma_wait3A_180 : memref<800x16xf32, #tpu.memory_space<hbm>>)
      } else {
      }
      %dma_start3A_94 = arith.constant 0 : i32
      %dma_start3A_95 = arith.constant 0 : i32
      %dma_start3A_96 = tpu.memref_slice %arg14[%dma_start3A_94, %dma_start3A_95] : memref<100128x16xf32, #tpu.memory_space<vmem_shared>> -> memref<100128x16xf32, #tpu.memory_space<vmem_shared>>
      tpu.enqueue_indirect_dma source(%dma_start3A_96 : memref<100128x16xf32, #tpu.memory_space<vmem_shared>>) target(%arg12 : memref<800x16xf32, #tpu.memory_space<vmem>>) offsets(%arg10 : memref<800xi32, #tpu.memory_space<vmem>>) semaphore(%arg17 : memref<!tpu.dma_semaphore, #tpu.memory_space<semaphore_mem>>)
      %mul3A_97 = arith.constant 2 : i32
      %mul3A_98 = arith.muli %scan3A_59, %mul3A_97 : i32
      %add3A_99 = arith.constant 1 : i32
      %add3A_100 = arith.addi %mul3A_98, %add3A_99 : i32
      %ge3A_101 = arith.constant 1 : i32
      %ge3A_102 = arith.cmpi sge, %add3A_100, %ge3A_101 : i32
      %convert_element_type3A_103 = arith.extui %ge3A_102 : i1 to i32
      %cond3A_104 = arith.constant 0 : i32
      %cond3A_105 = arith.cmpi ne, %convert_element_type3A_103, %cond3A_104 : i32
      scf.if %cond3A_105 {
        %dma_wait3A_135 = arith.constant 0 : i32
        %dma_wait3A_136 = arith.constant 0 : i32
        %dma_wait3A_137 = tpu.memref_slice %arg14[%dma_wait3A_135, %dma_wait3A_136] : memref<100128x16xf32, #tpu.memory_space<vmem_shared>> -> memref<100128x16xf32, #tpu.memory_space<vmem_shared>>
        tpu.wait_indirect_dma semaphore(%arg17 : memref<!tpu.dma_semaphore, #tpu.memory_space<semaphore_mem>>) src(%dma_wait3A_137 : memref<100128x16xf32, #tpu.memory_space<vmem_shared>>) dst(%arg12 : memref<800x16xf32, #tpu.memory_space<vmem>>)
        %sub3A = arith.constant 1 : i32
        %sub3A_138 = arith.subi %add3A_100, %sub3A : i32
        %jit3A_139 = arith.constant 2 : i32
        %eq3A_140 = arith.constant 0 : i32
        %eq3A_141 = arith.cmpi eq, %jit3A_139, %eq3A_140 : i32
        %jit3A_142 = arith.constant 1 : i32
        %select_n3A_143 = arith.select %eq3A_141, %jit3A_142, %jit3A_139 : i32
        %rem3A_144 = arith.remsi %sub3A_138, %select_n3A_143 : i32
        %ne3A_145 = arith.constant 0 : i32
        %ne3A_146 = arith.cmpi ne, %rem3A_144, %ne3A_145 : i32
        %lt3A_147 = arith.constant 0 : i32
        %lt3A_148 = arith.cmpi slt, %rem3A_144, %lt3A_147 : i32
        %lt3A_149 = arith.constant 0 : i32
        %lt3A_150 = arith.cmpi slt, %select_n3A_143, %lt3A_149 : i32
        %ne3A_151 = arith.xori %lt3A_148, %lt3A_150 : i1
        %and3A_152 = arith.andi %ne3A_151, %ne3A_146 : i1
        %add3A_153 = arith.addi %rem3A_144, %select_n3A_143 : i32
        %select_n3A_154 = arith.select %and3A_152, %add3A_153, %rem3A_144 : i32
        %mul3A_155 = arith.constant 800 : i32
        %mul3A_156 = arith.muli %select_n3A_154, %mul3A_155 : i32
        %add3A_157 = arith.addi %mul3A_2, %mul3A_156 : i32
        %jit3A_158 = arith.constant 2 : i32
        %div3A = arith.divsi %sub3A_138, %jit3A_158 : i32
        %sign3A = arith.constant 0 : i32
        %sign3A_159 = arith.cmpi sgt, %sub3A_138, %sign3A : i32
        %sign3A_160 = arith.extui %sign3A_159 : i1 to i32
        %sign3A_161 = arith.constant 0 : i32
        %sign3A_162 = arith.cmpi slt, %sub3A_138, %sign3A_161 : i32
        %sign3A_163 = arith.extui %sign3A_162 : i1 to i32
        %sign3A_164 = arith.subi %sign3A_160, %sign3A_163 : i32
        %sign3A_165 = arith.constant 0 : i32
        %sign3A_166 = arith.cmpi sgt, %jit3A_158, %sign3A_165 : i32
        %sign3A_167 = arith.extui %sign3A_166 : i1 to i32
        %sign3A_168 = arith.constant 0 : i32
        %sign3A_169 = arith.cmpi slt, %jit3A_158, %sign3A_168 : i32
        %sign3A_170 = arith.extui %sign3A_169 : i1 to i32
        %sign3A_171 = arith.subi %sign3A_167, %sign3A_170 : i32
        %ne3A_172 = arith.cmpi ne, %sign3A_164, %sign3A_171 : i32
        %rem3A_173 = arith.remsi %sub3A_138, %jit3A_158 : i32
        %ne3A_174 = arith.constant 0 : i32
        %ne3A_175 = arith.cmpi ne, %rem3A_173, %ne3A_174 : i32
        %and3A_176 = arith.andi %ne3A_172, %ne3A_175 : i1
        %sub3A_177 = arith.constant 1 : i32
        %sub3A_178 = arith.subi %div3A, %sub3A_177 : i32
        %select_n3A_179 = arith.select %and3A_176, %sub3A_178, %div3A : i32
        %mul3A_180 = arith.constant 16 : i32
        %mul3A_181 = arith.muli %select_n3A_179, %mul3A_180 : i32
        %dma_start3A_182 = tpu.memref_slice %arg5[%add3A_157, %mul3A_181] : memref<51200x512xf32, #tpu.memory_space<hbm>> -> memref<800x16xf32, #tpu.memory_space<hbm>>
        %dma_start3A_183 = tpu.memref_slice %arg5[%add3A_157, %mul3A_181] : memref<51200x512xf32, #tpu.memory_space<hbm>> -> memref<800x16xf32, #tpu.memory_space<hbm>>
        tpu.enqueue_dma source(%arg12 : memref<800x16xf32, #tpu.memory_space<vmem>>) target(%dma_start3A_183 : memref<800x16xf32, #tpu.memory_space<hbm>>) target_semaphore(%arg19 : memref<!tpu.dma_semaphore, #tpu.memory_space<semaphore_mem>>)
      } else {
      }
      %add3A_106 = arith.constant 1 : i32
      %add3A_107 = arith.addi %add3A_100, %add3A_106 : i32
      %lt3A_108 = arith.constant 54 : i32
      %lt3A_109 = arith.cmpi slt, %add3A_107, %lt3A_108 : i32
      %convert_element_type3A_110 = arith.extui %lt3A_109 : i1 to i32
      %cond3A_111 = arith.constant 0 : i32
      %cond3A_112 = arith.cmpi ne, %convert_element_type3A_110, %cond3A_111 : i32
      scf.if %cond3A_112 {
        %add3A_135 = arith.constant 1 : i32
        %add3A_136 = arith.addi %add3A_100, %add3A_135 : i32
        %jit3A_137 = arith.constant 2 : i32
        %div3A = arith.divsi %add3A_136, %jit3A_137 : i32
        %sign3A = arith.constant 0 : i32
        %sign3A_138 = arith.cmpi sgt, %add3A_136, %sign3A : i32
        %sign3A_139 = arith.extui %sign3A_138 : i1 to i32
        %sign3A_140 = arith.constant 0 : i32
        %sign3A_141 = arith.cmpi slt, %add3A_136, %sign3A_140 : i32
        %sign3A_142 = arith.extui %sign3A_141 : i1 to i32
        %sign3A_143 = arith.subi %sign3A_139, %sign3A_142 : i32
        %sign3A_144 = arith.constant 0 : i32
        %sign3A_145 = arith.cmpi sgt, %jit3A_137, %sign3A_144 : i32
        %sign3A_146 = arith.extui %sign3A_145 : i1 to i32
        %sign3A_147 = arith.constant 0 : i32
        %sign3A_148 = arith.cmpi slt, %jit3A_137, %sign3A_147 : i32
        %sign3A_149 = arith.extui %sign3A_148 : i1 to i32
        %sign3A_150 = arith.subi %sign3A_146, %sign3A_149 : i32
        %ne3A_151 = arith.cmpi ne, %sign3A_143, %sign3A_150 : i32
        %rem3A_152 = arith.remsi %add3A_136, %jit3A_137 : i32
        %ne3A_153 = arith.constant 0 : i32
        %ne3A_154 = arith.cmpi ne, %rem3A_152, %ne3A_153 : i32
        %and3A_155 = arith.andi %ne3A_151, %ne3A_154 : i1
        %sub3A = arith.constant 1 : i32
        %sub3A_156 = arith.subi %div3A, %sub3A : i32
        %select_n3A_157 = arith.select %and3A_155, %sub3A_156, %div3A : i32
        %mul3A_158 = arith.constant 102400 : i32
        %mul3A_159 = arith.muli %select_n3A_157, %mul3A_158 : i32
        %add3A_160 = arith.constant 0 : i32
        %add3A_161 = arith.addi %mul3A_159, %add3A_160 : i32
        %add3A_162 = arith.addi %add3A_161, %mul3A_2 : i32
        %jit3A_163 = arith.constant 2 : i32
        %eq3A_164 = arith.constant 0 : i32
        %eq3A_165 = arith.cmpi eq, %jit3A_163, %eq3A_164 : i32
        %jit3A_166 = arith.constant 1 : i32
        %select_n3A_167 = arith.select %eq3A_165, %jit3A_166, %jit3A_163 : i32
        %rem3A_168 = arith.remsi %add3A_136, %select_n3A_167 : i32
        %ne3A_169 = arith.constant 0 : i32
        %ne3A_170 = arith.cmpi ne, %rem3A_168, %ne3A_169 : i32
        %lt3A_171 = arith.constant 0 : i32
        %lt3A_172 = arith.cmpi slt, %rem3A_168, %lt3A_171 : i32
        %lt3A_173 = arith.constant 0 : i32
        %lt3A_174 = arith.cmpi slt, %select_n3A_167, %lt3A_173 : i32
        %ne3A_175 = arith.xori %lt3A_172, %lt3A_174 : i1
        %and3A_176 = arith.andi %ne3A_175, %ne3A_170 : i1
        %add3A_177 = arith.addi %rem3A_168, %select_n3A_167 : i32
        %select_n3A_178 = arith.select %and3A_176, %add3A_177, %rem3A_168 : i32
        %mul3A_179 = arith.constant 800 : i32
        %mul3A_180 = arith.muli %select_n3A_178, %mul3A_179 : i32
        %add3A_181 = arith.addi %add3A_162, %mul3A_180 : i32
        %dma_start3A_182 = tpu.memref_slice %arg3[%add3A_181] : memref<2764800xi32, #tpu.memory_space<hbm>> -> memref<800xi32, #tpu.memory_space<hbm>>
        %dma_start3A_183 = tpu.memref_slice %arg3[%add3A_181] : memref<2764800xi32, #tpu.memory_space<hbm>> -> memref<800xi32, #tpu.memory_space<hbm>>
        tpu.enqueue_dma source(%dma_start3A_183 : memref<800xi32, #tpu.memory_space<hbm>>) target(%arg6 : memref<800xi32, #tpu.memory_space<vmem>>) target_semaphore(%arg15 : memref<!tpu.dma_semaphore, #tpu.memory_space<semaphore_mem>>)
        %jit3A_184 = arith.constant 2 : i32
        %div3A_185 = arith.divsi %add3A_136, %jit3A_184 : i32
        %sign3A_186 = arith.constant 0 : i32
        %sign3A_187 = arith.cmpi sgt, %add3A_136, %sign3A_186 : i32
        %sign3A_188 = arith.extui %sign3A_187 : i1 to i32
        %sign3A_189 = arith.constant 0 : i32
        %sign3A_190 = arith.cmpi slt, %add3A_136, %sign3A_189 : i32
        %sign3A_191 = arith.extui %sign3A_190 : i1 to i32
        %sign3A_192 = arith.subi %sign3A_188, %sign3A_191 : i32
        %sign3A_193 = arith.constant 0 : i32
        %sign3A_194 = arith.cmpi sgt, %jit3A_184, %sign3A_193 : i32
        %sign3A_195 = arith.extui %sign3A_194 : i1 to i32
        %sign3A_196 = arith.constant 0 : i32
        %sign3A_197 = arith.cmpi slt, %jit3A_184, %sign3A_196 : i32
        %sign3A_198 = arith.extui %sign3A_197 : i1 to i32
        %sign3A_199 = arith.subi %sign3A_195, %sign3A_198 : i32
        %ne3A_200 = arith.cmpi ne, %sign3A_192, %sign3A_199 : i32
        %rem3A_201 = arith.remsi %add3A_136, %jit3A_184 : i32
        %ne3A_202 = arith.constant 0 : i32
        %ne3A_203 = arith.cmpi ne, %rem3A_201, %ne3A_202 : i32
        %and3A_204 = arith.andi %ne3A_200, %ne3A_203 : i1
        %sub3A_205 = arith.constant 1 : i32
        %sub3A_206 = arith.subi %div3A_185, %sub3A_205 : i32
        %select_n3A_207 = arith.select %and3A_204, %sub3A_206, %div3A_185 : i32
        %mul3A_208 = arith.constant 102400 : i32
        %mul3A_209 = arith.muli %select_n3A_207, %mul3A_208 : i32
        %add3A_210 = arith.constant 0 : i32
        %add3A_211 = arith.addi %mul3A_209, %add3A_210 : i32
        %add3A_212 = arith.addi %add3A_211, %mul3A_2 : i32
        %jit3A_213 = arith.constant 2 : i32
        %eq3A_214 = arith.constant 0 : i32
        %eq3A_215 = arith.cmpi eq, %jit3A_213, %eq3A_214 : i32
        %jit3A_216 = arith.constant 1 : i32
        %select_n3A_217 = arith.select %eq3A_215, %jit3A_216, %jit3A_213 : i32
        %rem3A_218 = arith.remsi %add3A_136, %select_n3A_217 : i32
        %ne3A_219 = arith.constant 0 : i32
        %ne3A_220 = arith.cmpi ne, %rem3A_218, %ne3A_219 : i32
        %lt3A_221 = arith.constant 0 : i32
        %lt3A_222 = arith.cmpi slt, %rem3A_218, %lt3A_221 : i32
        %lt3A_223 = arith.constant 0 : i32
        %lt3A_224 = arith.cmpi slt, %select_n3A_217, %lt3A_223 : i32
        %ne3A_225 = arith.xori %lt3A_222, %lt3A_224 : i1
        %and3A_226 = arith.andi %ne3A_225, %ne3A_220 : i1
        %add3A_227 = arith.addi %rem3A_218, %select_n3A_217 : i32
        %select_n3A_228 = arith.select %and3A_226, %add3A_227, %rem3A_218 : i32
        %mul3A_229 = arith.constant 800 : i32
        %mul3A_230 = arith.muli %select_n3A_228, %mul3A_229 : i32
        %add3A_231 = arith.addi %add3A_212, %mul3A_230 : i32
        %dma_start3A_232 = tpu.memref_slice %arg4[%add3A_231] : memref<2764800xi32, #tpu.memory_space<hbm>> -> memref<800xi32, #tpu.memory_space<hbm>>
        %dma_start3A_233 = tpu.memref_slice %arg4[%add3A_231] : memref<2764800xi32, #tpu.memory_space<hbm>> -> memref<800xi32, #tpu.memory_space<hbm>>
        tpu.enqueue_dma source(%dma_start3A_233 : memref<800xi32, #tpu.memory_space<hbm>>) target(%arg8 : memref<800xi32, #tpu.memory_space<vmem>>) target_semaphore(%arg15 : memref<!tpu.dma_semaphore, #tpu.memory_space<semaphore_mem>>)
      } else {
      }
      %dma_wait3A_113 = arith.constant 0 : i32
      %dma_wait3A_114 = tpu.memref_slice %arg3[%dma_wait3A_113] : memref<2764800xi32, #tpu.memory_space<hbm>> -> memref<800xi32, #tpu.memory_space<hbm>>
      %dma_wait3A_115 = arith.constant 0 : i32
      %dma_wait3A_116 = tpu.memref_slice %arg3[%dma_wait3A_115] : memref<2764800xi32, #tpu.memory_space<hbm>> -> memref<800xi32, #tpu.memory_space<hbm>>
      tpu.wait_dma2 semaphore(%arg16 : memref<!tpu.dma_semaphore, #tpu.memory_space<semaphore_mem>>) src(%dma_wait3A_116 : memref<800xi32, #tpu.memory_space<hbm>>) dst(%arg7 : memref<800xi32, #tpu.memory_space<vmem>>)
      %dma_wait3A_117 = arith.constant 0 : i32
      %dma_wait3A_118 = tpu.memref_slice %arg4[%dma_wait3A_117] : memref<2764800xi32, #tpu.memory_space<hbm>> -> memref<800xi32, #tpu.memory_space<hbm>>
      %dma_wait3A_119 = arith.constant 0 : i32
      %dma_wait3A_120 = tpu.memref_slice %arg4[%dma_wait3A_119] : memref<2764800xi32, #tpu.memory_space<hbm>> -> memref<800xi32, #tpu.memory_space<hbm>>
      tpu.wait_dma2 semaphore(%arg16 : memref<!tpu.dma_semaphore, #tpu.memory_space<semaphore_mem>>) src(%dma_wait3A_120 : memref<800xi32, #tpu.memory_space<hbm>>) dst(%arg9 : memref<800xi32, #tpu.memory_space<vmem>>)
      %scan3A_121 = arith.constant 0 : i32
      %scan3A_122 = arith.constant 0 : i32
      %scan3A_123 = arith.constant 50 : i32
      %scan3A_124 = arith.addi %scan3A_122, %scan3A_123 : i32
      %scan3A_125 = arith.constant 1 : i32
      scf.for %scan3A_135 = %scan3A_122 to %scan3A_124 step %scan3A_125  : i32 {
        %mul3A_136 = arith.constant 16 : i32
        %mul3A_137 = arith.muli %scan3A_135, %mul3A_136 : i32
        %get3A = arith.index_cast %mul3A_137 : i32 to index
        %get3A_138 = tpu.vector_load %arg9[%get3A] {strides = array<i32>} : memref<800xi32, #tpu.memory_space<vmem>>, vector<16xi32>,
        %get3A_139 = vector.shape_cast %get3A_138 : vector<16xi32> to vector<16xi32>
        %ne3A_140 = arith.constant 0 : i32
        %ne3A_141 = vector.broadcast %ne3A_140 : i32 to vector<16xi32>
        %ne3A_142 = arith.cmpi ne, %get3A_139, %ne3A_141 : vector<16xi32>
        %get3A_143 = arith.index_cast %mul3A_137 : i32 to index
        %get3A_144 = tpu.vector_load %arg7[%get3A_143] {strides = array<i32>} : memref<800xi32, #tpu.memory_space<vmem>>, vector<16xi32>,
        %get3A_145 = vector.shape_cast %get3A_144 : vector<16xi32> to vector<16xi32>
        %select_n3A_146 = arith.select %ne3A_142, %get3A_145, %add3A_19 : vector<16xi1>, vector<16xi32>
        %swap3A = arith.index_cast %mul3A_137 : i32 to index
        %swap3A_147 = tpu.vector_load %arg11[%swap3A] {strides = array<i32>} : memref<800xi32, #tpu.memory_space<vmem>>, vector<16xi32>,
        %swap3A_148 = vector.shape_cast %swap3A_147 : vector<16xi32> to vector<16xi32>
        %swap3A_149 = vector.shape_cast %select_n3A_146 : vector<16xi32> to vector<16xi32>
        tpu.vector_store %arg11[%swap3A], %swap3A_149 {strides = array<i32>} : memref<800xi32, #tpu.memory_space<vmem>>, vector<16xi32>,
      }
      %scan3A_126 = arith.constant 50 : i32
      %ge3A_127 = arith.constant 2 : i32
      %ge3A_128 = arith.cmpi sge, %add3A_100, %ge3A_127 : i32
      %convert_element_type3A_129 = arith.extui %ge3A_128 : i1 to i32
      %cond3A_130 = arith.constant 0 : i32
      %cond3A_131 = arith.cmpi ne, %convert_element_type3A_129, %cond3A_130 : i32
      scf.if %cond3A_131 {
        %sub3A = arith.constant 2 : i32
        %sub3A_135 = arith.subi %add3A_100, %sub3A : i32
        %jit3A_136 = arith.constant 2 : i32
        %eq3A_137 = arith.constant 0 : i32
        %eq3A_138 = arith.cmpi eq, %jit3A_136, %eq3A_137 : i32
        %jit3A_139 = arith.constant 1 : i32
        %select_n3A_140 = arith.select %eq3A_138, %jit3A_139, %jit3A_136 : i32
        %rem3A_141 = arith.remsi %sub3A_135, %select_n3A_140 : i32
        %ne3A_142 = arith.constant 0 : i32
        %ne3A_143 = arith.cmpi ne, %rem3A_141, %ne3A_142 : i32
        %lt3A_144 = arith.constant 0 : i32
        %lt3A_145 = arith.cmpi slt, %rem3A_141, %lt3A_144 : i32
        %lt3A_146 = arith.constant 0 : i32
        %lt3A_147 = arith.cmpi slt, %select_n3A_140, %lt3A_146 : i32
        %ne3A_148 = arith.xori %lt3A_145, %lt3A_147 : i1
        %and3A_149 = arith.andi %ne3A_148, %ne3A_143 : i1
        %add3A_150 = arith.addi %rem3A_141, %select_n3A_140 : i32
        %select_n3A_151 = arith.select %and3A_149, %add3A_150, %rem3A_141 : i32
        %mul3A_152 = arith.constant 800 : i32
        %mul3A_153 = arith.muli %select_n3A_151, %mul3A_152 : i32
        %add3A_154 = arith.addi %mul3A_2, %mul3A_153 : i32
        %jit3A_155 = arith.constant 2 : i32
        %div3A = arith.divsi %sub3A_135, %jit3A_155 : i32
        %sign3A = arith.constant 0 : i32
        %sign3A_156 = arith.cmpi sgt, %sub3A_135, %sign3A : i32
        %sign3A_157 = arith.extui %sign3A_156 : i1 to i32
        %sign3A_158 = arith.constant 0 : i32
        %sign3A_159 = arith.cmpi slt, %sub3A_135, %sign3A_158 : i32
        %sign3A_160 = arith.extui %sign3A_159 : i1 to i32
        %sign3A_161 = arith.subi %sign3A_157, %sign3A_160 : i32
        %sign3A_162 = arith.constant 0 : i32
        %sign3A_163 = arith.cmpi sgt, %jit3A_155, %sign3A_162 : i32
        %sign3A_164 = arith.extui %sign3A_163 : i1 to i32
        %sign3A_165 = arith.constant 0 : i32
        %sign3A_166 = arith.cmpi slt, %jit3A_155, %sign3A_165 : i32
        %sign3A_167 = arith.extui %sign3A_166 : i1 to i32
        %sign3A_168 = arith.subi %sign3A_164, %sign3A_167 : i32
        %ne3A_169 = arith.cmpi ne, %sign3A_161, %sign3A_168 : i32
        %rem3A_170 = arith.remsi %sub3A_135, %jit3A_155 : i32
        %ne3A_171 = arith.constant 0 : i32
        %ne3A_172 = arith.cmpi ne, %rem3A_170, %ne3A_171 : i32
        %and3A_173 = arith.andi %ne3A_169, %ne3A_172 : i1
        %sub3A_174 = arith.constant 1 : i32
        %sub3A_175 = arith.subi %div3A, %sub3A_174 : i32
        %select_n3A_176 = arith.select %and3A_173, %sub3A_175, %div3A : i32
        %mul3A_177 = arith.constant 16 : i32
        %mul3A_178 = arith.muli %select_n3A_176, %mul3A_177 : i32
        %dma_wait3A_179 = tpu.memref_slice %arg5[%add3A_154, %mul3A_178] : memref<51200x512xf32, #tpu.memory_space<hbm>> -> memref<800x16xf32, #tpu.memory_space<hbm>>
        %dma_wait3A_180 = tpu.memref_slice %arg5[%add3A_154, %mul3A_178] : memref<51200x512xf32, #tpu.memory_space<hbm>> -> memref<800x16xf32, #tpu.memory_space<hbm>>
        tpu.wait_dma2 semaphore(%arg20 : memref<!tpu.dma_semaphore, #tpu.memory_space<semaphore_mem>>) src(%arg13 : memref<800x16xf32, #tpu.memory_space<vmem>>) dst(%dma_wait3A_180 : memref<800x16xf32, #tpu.memory_space<hbm>>)
      } else {
      }
      %dma_start3A_132 = arith.constant 0 : i32
      %dma_start3A_133 = arith.constant 0 : i32
      %dma_start3A_134 = tpu.memref_slice %arg14[%dma_start3A_132, %dma_start3A_133] : memref<100128x16xf32, #tpu.memory_space<vmem_shared>> -> memref<100128x16xf32, #tpu.memory_space<vmem_shared>>
      tpu.enqueue_indirect_dma source(%dma_start3A_134 : memref<100128x16xf32, #tpu.memory_space<vmem_shared>>) target(%arg13 : memref<800x16xf32, #tpu.memory_space<vmem>>) offsets(%arg11 : memref<800xi32, #tpu.memory_space<vmem>>) semaphore(%arg18 : memref<!tpu.dma_semaphore, #tpu.memory_space<semaphore_mem>>)
    }
    %scan3A_38 = arith.constant 27 : i32
    %dma_wait3A = arith.constant 0 : i32
    %dma_wait3A_39 = arith.constant 0 : i32
    %dma_wait3A_40 = tpu.memref_slice %arg14[%dma_wait3A, %dma_wait3A_39] : memref<100128x16xf32, #tpu.memory_space<vmem_shared>> -> memref<100128x16xf32, #tpu.memory_space<vmem_shared>>
    tpu.wait_indirect_dma semaphore(%arg18 : memref<!tpu.dma_semaphore, #tpu.memory_space<semaphore_mem>>) src(%dma_wait3A_40 : memref<100128x16xf32, #tpu.memory_space<vmem_shared>>) dst(%arg13 : memref<800x16xf32, #tpu.memory_space<vmem>>)
    %add3A_41 = arith.constant 800 : i32
    %add3A_42 = arith.addi %mul3A_2, %add3A_41 : i32
    %dma_start3A_43 = arith.constant 416 : i32
    %dma_start3A_44 = tpu.memref_slice %arg5[%add3A_42, %dma_start3A_43] : memref<51200x512xf32, #tpu.memory_space<hbm>> -> memref<800x16xf32, #tpu.memory_space<hbm>>
    %dma_start3A_45 = arith.constant 416 : i32
    %dma_start3A_46 = tpu.memref_slice %arg5[%add3A_42, %dma_start3A_45] : memref<51200x512xf32, #tpu.memory_space<hbm>> -> memref<800x16xf32, #tpu.memory_space<hbm>>
    tpu.enqueue_dma source(%arg13 : memref<800x16xf32, #tpu.memory_space<vmem>>) target(%dma_start3A_46 : memref<800x16xf32, #tpu.memory_space<hbm>>) target_semaphore(%arg20 : memref<!tpu.dma_semaphore, #tpu.memory_space<semaphore_mem>>)
    %add3A_47 = arith.constant 0 : i32
    %add3A_48 = arith.addi %mul3A_2, %add3A_47 : i32
    %dma_wait3A_49 = arith.constant 416 : i32
    %dma_wait3A_50 = tpu.memref_slice %arg5[%add3A_48, %dma_wait3A_49] : memref<51200x512xf32, #tpu.memory_space<hbm>> -> memref<800x16xf32, #tpu.memory_space<hbm>>
    %dma_wait3A_51 = arith.constant 416 : i32
    %dma_wait3A_52 = tpu.memref_slice %arg5[%add3A_48, %dma_wait3A_51] : memref<51200x512xf32, #tpu.memory_space<hbm>> -> memref<800x16xf32, #tpu.memory_space<hbm>>
    tpu.wait_dma2 semaphore(%arg19 : memref<!tpu.dma_semaphore, #tpu.memory_space<semaphore_mem>>) src(%arg12 : memref<800x16xf32, #tpu.memory_space<vmem>>) dst(%dma_wait3A_52 : memref<800x16xf32, #tpu.memory_space<hbm>>)
    %add3A_53 = arith.constant 800 : i32
    %add3A_54 = arith.addi %mul3A_2, %add3A_53 : i32
    %dma_wait3A_55 = arith.constant 416 : i32
    %dma_wait3A_56 = tpu.memref_slice %arg5[%add3A_54, %dma_wait3A_55] : memref<51200x512xf32, #tpu.memory_space<hbm>> -> memref<800x16xf32, #tpu.memory_space<hbm>>
    %dma_wait3A_57 = arith.constant 416 : i32
    %dma_wait3A_58 = tpu.memref_slice %arg5[%add3A_54, %dma_wait3A_57] : memref<51200x512xf32, #tpu.memory_space<hbm>> -> memref<800x16xf32, #tpu.memory_space<hbm>>
    tpu.wait_dma2 semaphore(%arg20 : memref<!tpu.dma_semaphore, #tpu.memory_space<semaphore_mem>>) src(%arg13 : memref<800x16xf32, #tpu.memory_space<vmem>>) dst(%dma_wait3A_58 : memref<800x16xf32, #tpu.memory_space<hbm>>)
    return
  }
}

module attributes {stable_mosaic.version = 14 : i64} {
  func.func @_tc_reduce_body(%arg0: i32, %arg1: memref<6400x512xf32, #tpu.memory_space<vmem>>, %arg2: memref<432x16xf32, #tpu.memory_space<vmem>>, %arg3: memref<1x16xf32, #tpu.memory_space<vmem>>, %arg4: memref<6400x16xf32, #tpu.memory_space<vmem>>) attributes {dimension_semantics = [#tpu.dimension_semantics<arbitrary>], iteration_bounds = array<i64: 8>, scalar_prefetch = 0 : i64, scratch_operands = 0 : i64, tpu.core_type = #tpu.core_type<tc>, window_params = [{transform_indices = @transform_0, window_bounds = array<i64: 6400, 512>}, {pipeline_mode = #tpu.pipeline_mode<synchronous>, transform_indices = @transform_1, window_bounds = array<i64: 432, 16>}, {pipeline_mode = #tpu.pipeline_mode<synchronous>, transform_indices = @transform_2, window_bounds = array<i64: 1, 16>}, {transform_indices = @transform_3, window_bounds = array<i64: 6400, 16>}]} {
    %get3A = arith.constant 0 : index
    %get3A_0 = arith.constant 0 : index
    %get3A_1 = vector.load %arg3[%get3A, %get3A_0] : memref<1x16xf32, #tpu.memory_space<vmem>>, vector<1x16xf32>
    %broadcast_in_dim3A = vector.shape_cast %get3A_1 : vector<1x16xf32> to vector<1x16xf32>
    %broadcast_in_dim3A_2 = vector.broadcast %broadcast_in_dim3A : vector<1x16xf32> to vector<6400x16xf32>
    %get3A_3 = arith.constant 0 : index
    %get3A_4 = arith.constant 0 : index
    %get3A_5 = vector.load %arg1[%get3A_3, %get3A_4] : memref<6400x512xf32, #tpu.memory_space<vmem>>, vector<6400x432xf32>
    %get3A_6 = arith.constant 0 : index
    %get3A_7 = arith.constant 0 : index
    %get3A_8 = vector.load %arg2[%get3A_6, %get3A_7] : memref<432x16xf32, #tpu.memory_space<vmem>>, vector<432x16xf32>
    %dot_general3A = arith.constant dense<0.000000e+00> : vector<6400x16xf32>
    %dot_general3A_9 = tpu.matmul %get3A_5, %get3A_8, %dot_general3A {dimension_numbers = #tpu.dot_dimension_numbers<[1], [0], [0], [1], [0, 0, 1, 1], [], []>, transpose_lhs_hint = false} : vector<6400x432xf32>, vector<432x16xf32>, vector<6400x16xf32> -> vector<6400x16xf32>
    %add3A = arith.addf %broadcast_in_dim3A_2, %dot_general3A_9 : vector<6400x16xf32>
    %swap3A = arith.constant 0 : index
    %swap3A_10 = arith.constant 0 : index
    %swap3A_11 = vector.load %arg4[%swap3A, %swap3A_10] : memref<6400x16xf32, #tpu.memory_space<vmem>>, vector<6400x16xf32>
    tpu.vector_store %arg4[%swap3A, %swap3A_10], %add3A {strides = array<i32>} : memref<6400x16xf32, #tpu.memory_space<vmem>>, vector<6400x16xf32>,
    return
  }
  func.func @transform_0(%arg0: i32) -> (i32, i32) {
    %c0_i32 = arith.constant 0 : i32
    %c0_i32_0 = arith.constant 0 : i32
    return %arg0, %c0_i32 : i32, i32
  }
  func.func @transform_1(%arg0: i32) -> (i32, i32) {
    %c0_i32 = arith.constant 0 : i32
    %c0_i32_0 = arith.constant 0 : i32
    %c0_i32_1 = arith.constant 0 : i32
    return %c0_i32, %c0_i32_0 : i32, i32
  }
  func.func @transform_2(%arg0: i32) -> (i32, i32) {
    %c0_i32 = arith.constant 0 : i32
    %c0_i32_0 = arith.constant 0 : i32
    %c0_i32_1 = arith.constant 0 : i32
    return %c0_i32, %c0_i32_0 : i32, i32
  }
  func.func @transform_3(%arg0: i32) -> (i32, i32) {
    %c0_i32 = arith.constant 0 : i32
    %c0_i32_0 = arith.constant 0 : i32
    return %arg0, %c0_i32 : i32, i32
  }
}

</mosaic_0001>

<sc_bundles>
// kernel: kernel.6.cloned.1.call-start
scs
__scs_entry_jumppad:
0x0: {  	(pc) =	sbr.rel $0x88, $3  }
0x1: {  	(tag) =	ssettag $0x0;
	lr =	simm.s32 $0x1  }
0x2: {  	[smem:$0x3F9C] =	sst lr;
	_ =	strace $0xD0000000  }
0x3: {  	_ = 	snop  }
0x4: {  	_ = 	snop  }
0x5: {  	_ = 	snop  }
0x6: {  	_ = 	snop  }
0x7: {  	_ = 	snop  }
__scs_overlays_trampoline_lowered:
0x8: {  	[smem:$0x3FAB] =	sst s0  }
0x9: {  	[smem:$0x3FAC] =	sst s1  }
0xa: {  	[smem:$0x3FAD] =	sst s2  }
0xb: {  	[smem:$0x3FAE] =	sst s3  }
0xc: {  	[smem:$0x3FAF] =	sst s4  }
0xd: {  	[smem:$0x3FB0] =	sst s5  }
0xe: {  	[smem:$0x3FB1] =	sst s6  }
0xf: {  	[smem:$0x3FB2] =	sst s7  }
0x10: {  	[smem:$0x3FB3] =	sst s8  }
0x11: {  	[smem:$0x3FB4] =	sst s9;
	s0 =	simm.s32 @!p0 $0x0  }
0x12: {  	s1 =	sld [smem:$0x3F9A];
	s0 =	simm.s32 @p0 $0x1  }
0x13: {  	[smem:$0x3FB5] =	sst s0;
	s0 =	simm.s32 @!p1 $0x0  }
0x14: {  	s2 =	sld [smem:$0x3F99];
	s0 =	simm.s32 @p1 $0x1  }
0x15: {  	[smem:$0x3FB6] =	sst s0;
	s0 =	simm.s32 @!p2 $0x0  }
0x16: {  	s3 =	sld [smem:$0x3FDB];
	s0 =	simm.s32 @p2 $0x1  }
0x17: {  	s4 =	simm.s32 $0x1BF5;
	[smem:$0x3FB8] =	sst s0  }
0x18: {  	s0 =	sld [smem:$0x3F9B];
	_ =	swait.ge [sflag:s4], $0x0  }
0x19: {  	s7 =	sld [smem:$0x3F9C]  }
0x1a: {  	s8 =	sadd.s32 $0xFFFFE003, lr  }
0x1b: {  	s9 =	sadd.s32 $0xFFFFFEF7, lr;
	s5 =	simm.s32 $0xFFFFFFFF;
	p2 =	slt.u32 s8, $0xFFFFF086  }
0x1c: {  	p1 =	slt.u32 s9, $0xF7A;
	s5 =	simm.s32 @!p2 $0x0  }
0x1d: {  	s5 =	simm.s32 @p1 $0x1;
	p0 =	seq.s32 s7, s2  }
0x1e: {  	s7 =	smul.u32 @!p0 $0xF7A, s2;
	p2 =	seq.s32 @!p0 s5, $0x0  }
0x1f: {  	s9 =	smul.u32 $0xF7A, s1;
	s8 =	simm.s32 @!p0 $0x1BF5;
	p2 =	por !p2, p0  }
0x20: {  	[sflag:s8] =	ssyncset.s32 @!p0 $0xFFFFF086;
	s6 =	sadd.s32 @!p0 s3, s7;
	s7 =	simm.s32 @!p0 $0x108  }
0x21: {  	s3 =	sadd.s32 s3, s9;
	s6 =	sadd.s32 @!p0 $0x88, s6;
	s7 =	simm.s32 @p2 $0x1082  }
0x22: {  	[simem:s7], [sflag:s8] =	dma.local @!p0 [hbm:s6], $0xF7A  }
0x23: {  	s9 =	sor.u32 $0xD0000000, s2;
	s6 =	simm.s32 $0x108;
	_ =	swait.ge @!p0 [sflag:s8], $0x0  }
0x24: {  	s3 =	sadd.s32 $0x88, s3;
	s6 =	simm.s32 @!p1 $0x1082;
	[sflag:s4] =	ssyncset.s32 $0xFFFFF086  }
0x25: {  	[simem:s6], [sflag:s4] =	dma.local [hbm:s3], $0xF7A  }
0x26: {  	[smem:$0x3F9C] =	sst s1;
	(tag) =	ssettag s2;
	_ =	strace s9  }
0x27: {  	s1 =	sld [smem:$0x3FAC]  }
0x28: {  	s2 =	sld [smem:$0x3FAD]  }
0x29: {  	s4 =	sld [smem:$0x3FAF]  }
0x2a: {  	p0 =	seq.s32 s5, $0x0;
	s5 =	sld [smem:$0x3FB0]  }
0x2b: {  	s6 =	sld [smem:$0x3FB1]  }
0x2c: {  	s7 =	sld [smem:$0x3FB2]  }
0x2d: {  	s3 =	simm.s32 $0x108;
	s8 =	sld [smem:$0x3FB3]  }
0x2e: {  	s3 =	simm.s32 @!p0 $0x1082;
	s9 =	sld [smem:$0x3FB4]  }
0x2f: {  	lr =	sadd.s32 s0, s3;
	s0 =	sld [smem:$0x3FAB]  }
0x30: {  	s3 =	sld [smem:$0x3FAE]  }
0x31: {  	[smem:$0x3FB7] =	sst s10  }
0x32: {  	s10 =	sld [smem:$0x3FB5];
	_ =	sdelay $0x3  }
0x33: {  	p0 =	seq.s32 s10, $0x1;
	s10 =	sld [smem:$0x3FB7];
	_ =	sdelay $0x3  }
0x34: {  	[smem:$0x3FB7] =	sst s10  }
0x35: {  	s10 =	sld [smem:$0x3FB6];
	_ =	sdelay $0x3  }
0x36: {  	p1 =	seq.s32 s10, $0x1;
	s10 =	sld [smem:$0x3FB7];
	_ =	sdelay $0x3  }
0x37: {  	[smem:$0x3FB7] =	sst s10  }
0x38: {  	s10 =	sld [smem:$0x3FB8]  }
0x39: {  	_ = 	snop;
	(pc) =	sbr.ind lr, $3  }
0x3a: {  	_ = 	snop  }
0x3b: {  	_ = 	snop  }
0x3c: {  	p2 =	seq.s32 s10, $0x1;
	s10 =	sld [smem:$0x3FB7]  }
0x3d: {  	_ =	shalt  }
0x3e: {  	_ =	shalt  }
0x3f: {  	_ =	shalt  }
0x40: {  	_ =	shalt  }
0x41: {  	_ =	shalt  }
0x42: {  	_ =	shalt  }
0x43: {  	_ =	shalt  }
0x44: {  	_ =	shalt  }
0x45: {  	_ =	shalt  }
0x46: {  	_ =	shalt  }
0x47: {  	_ =	shalt  }
0x48: {  	_ =	shalt  }
0x49: {  	_ =	shalt  }
0x4a: {  	_ =	shalt  }
0x4b: {  	_ =	shalt  }
0x4c: {  	_ =	shalt  }
0x4d: {  	_ =	shalt  }
0x4e: {  	_ =	shalt  }
0x4f: {  	_ =	shalt  }
0x50: {  	_ =	shalt  }
0x51: {  	_ =	shalt  }
0x52: {  	_ =	shalt  }
0x53: {  	_ =	shalt  }
0x54: {  	_ =	shalt  }
0x55: {  	_ =	shalt  }
0x56: {  	_ =	shalt  }
0x57: {  	_ =	shalt  }
0x58: {  	_ =	shalt  }
0x59: {  	_ =	shalt  }
0x5a: {  	_ =	shalt  }
0x5b: {  	_ =	shalt  }
0x5c: {  	_ =	shalt  }
0x5d: {  	_ =	shalt  }
0x5e: {  	_ =	shalt  }
0x5f: {  	_ =	shalt  }
0x60: {  	_ =	shalt  }
0x61: {  	_ =	shalt  }
0x62: {  	_ =	shalt  }
0x63: {  	_ =	shalt  }
0x64: {  	_ =	shalt  }
0x65: {  	_ =	shalt  }
0x66: {  	_ =	shalt  }
0x67: {  	_ =	shalt  }
0x68: {  	_ =	shalt  }
0x69: {  	_ =	shalt  }
0x6a: {  	_ =	shalt  }
0x6b: {  	_ =	shalt  }
0x6c: {  	_ =	shalt  }
0x6d: {  	_ =	shalt  }
0x6e: {  	_ =	shalt  }
0x6f: {  	_ =	shalt  }
0x70: {  	_ =	shalt  }
0x71: {  	_ =	shalt  }
0x72: {  	_ =	shalt  }
0x73: {  	_ =	shalt  }
0x74: {  	_ =	shalt  }
0x75: {  	_ =	shalt  }
0x76: {  	_ =	shalt  }
0x77: {  	_ =	shalt  }
0x78: {  	_ =	shalt  }
0x79: {  	_ =	shalt  }
0x7a: {  	_ =	shalt  }
0x7b: {  	_ =	shalt  }
0x7c: {  	_ =	shalt  }
0x7d: {  	_ =	shalt  }
0x7e: {  	_ =	shalt  }
0x7f: {  	_ =	shalt  }
0x80: {  	_ =	shalt  }
0x81: {  	_ =	shalt  }
0x82: {  	_ =	shalt  }
0x83: {  	_ =	shalt  }
0x84: {  	_ =	shalt  }
0x85: {  	_ =	shalt  }
0x86: {  	_ =	shalt  }
0x87: {  	_ =	shalt  }
.Lfunc_end0:
.L_simem_size_0:
called_computation_lowered:
.L_overlay_start_0:
0x88: {  	s2 =	sld [smem:$0x3FD9]  }
0x89: {  	s3 =	sld [smem:$0x3FFE];
	_ =	sdelay $0x1  }
0x8a: {  	s1 =	srdreg.scid  }
0x8b: {  	s0 =	sand.u32 $0x1, s1  }
0x8c: {  	s16 =	sshll.u32 s0, $0xA;
	s2 =	sadd.s32 s3, s2  }
0x8d: {  	s2 =	sadd.s32 s2, s16  }
0x8e: {  	[smem:$0x3FC3] =	sst s2  }
0x8f: {  	_ = 	snop  }
0x90: {  	(tm) =	ssettm $0x1  }
0x91: {  	s17 =	sld [smem:$0x3FFB];
	_ =	sdelay $0x3  }
0x92: {  	_ =	strace s17  }
0x93: {  	s2 =	sld [smem:$0x3FFC];
	_ =	sdelay $0x3  }
0x94: {  	_ =	strace s2  }
0x95: {  	s2 =	sld [smem:$0x3FFD];
	_ =	sdelay $0x3  }
0x96: {  	_ =	strace s2  }
0x97: {  	_ =	strace $0x8FFFFFFF  }
0x98: {  	s18 =	sld [smem:$0x3FDB];
	_ =	sdelay $0x1  }
0x99: {  	s19 =	simm.s32 $_scs_section_size  }
0x9a: {  	s4 =	simm.s32 $_size__tile_overlayer_lowered;
	s5 =	simm.s32 $_tile_overlayer_lowered  }
0x9b: {  	s22 =	simm.s32 $0x1BFF;
	s21 =	sshll.u32 s5, $0x1;
	s2 =	sadd.s32 s19, s18  }
0x9c: {  	s6 =	simm.s32 $0x0;
	s20 =	sshll.u32 s4, $0x1;
	s4 =	sadd.s32 s21, s2  }
0x9d: {  	[timem:s6], [sflag:s22] =	dma.local [hbm:s4], s20  }
0x9e: {  	_ =	swait.ge [sflag:s22], s20  }
0x9f: {  	s3 =	ssub.s32 $0x0, s20;
	[sflag:s22] =	ssyncset.done $0x0  }
0xa0: {  	[sflag:s22] =	ssyncadd.s32 s3;
	_ =	sdelay $0x1  }
0xa1: {  	s23 =	simm.s32 $0x1B8B  }
0xa2: {  	_ =	swait.ge [sflag:s23], $0x1  }
0xa3: {  	[sflag:s23] =	ssyncset.done $0x0  }
0xa4: {  	s25 =	simm.s32 $0x1B8E;
	s24 =	sld [smem:$0x3FFE];
	[sflag:s23] =	ssyncadd.s32 $0xFFFFFFFF  }
0xa5: {  	s26 =	simm.s32 $execute0_lowered;
	[smem:$0x3FD2] =	sst s25  }
0xa6: {  	s4 =	sshll.u32 s26, $0x1;
	_ =	strace $0x80000046;
	[dreg:$0x1] =	wrdreg $0xFFFFFFFF  }
0xa7: {  	s28 =	simm.s32 $_size_execute0_lowered;
	s2 =	sadd.s32 s2, s4;
	[dreg:$0x0] =	wrdreg $0x0  }
0xa8: {  	s4 =	sshll.u32 s28, $0x1;
	[dreg:$0x2] =	wrdreg s2  }
0xa9: {  	[dreg:$0x3] =	wrdreg s4  }
0xaa: {  	[dreg:$0x4] =	wrdreg $0xC0  }
0xab: {  	_ =	task [dreg:s6], $0x5FFFF  }
0xac: {  	[dreg:$0x1] =	wrdreg $0xFFFFFFFF  }
0xad: {  	[dreg:$0x0] =	wrdreg $0x60  }
0xae: {  	[dreg:$0x2] =	wrdreg s24  }
0xaf: {  	[dreg:$0x3] =	wrdreg $0x76C00  }
0xb0: {  	[dreg:$0x4] =	wrdreg $0x9  }
0xb1: {  	_ =	task.clear_ibuf [dreg:s6], $0x5FFFF;
	_ =	strace $0x90000046  }
0xb2: {  	s29 =	simm.s32 $0x9;
	_ =	strace $0x80000048  }
0xb3: {  	_ =	swait.ge [sflag:s29], $0x1  }
0xb4: {  	[sflag:s29] =	ssyncadd.s32 $0xFFFFFFFF  }
0xb5: {  	_ =	strace $0x90000048  }
0xb6: {  	_ =	sfence  }
0xb7: {  	s30 =	sld [smem:$0x0];
	_ =	sdelay $0x2  }
0xb8: {  	s31 =	sshll.u32 s1, $0xD;
	s1 =	sshrl.u32 s1, $0x2  }
0xb9: {  	s3 =	sand.u32 $0x4000, s31;
	s1 =	sadd.s32 s1, s30  }
0xba: {  	s0 =	sor.u32 s3, s0;
	s1 =	sshll.u32 s1, $0x11  }
0xbb: {  	s0 =	sor.u32 s1, s0  }
0xbc: {  	s0 =	sadd.s32 $0x8F2B, s0  }
0xbd: {  	[sflag:s0] =	ssyncadd.remote.s32 $0x1  }
0xbe: {  	_ =	sfence.sel $0xFFFF  }
0xbf: {  	[dreg:$0x0] =	wrdreg $0xFFFFFFFF;
	(pc) =	sbr.abs _section_cstart, $3  }
0xc0: {  	[dreg:$0x1] =	wrdreg $0xFFFFFFFF  }
0xc1: {  	_ =	task.clear_ibuf [dreg:s6], $0x2FFFF;
	_ =	strace $0x9FFFFFFF  }
0xc2: {  	(tm) =	ssettm $0x7FFFFFFF  }
0xc3: {  	_ =	shalt  }
tec
execute0_lowered:
.L_overlay_start_1:
0x0: {  	(tag) =	ssettag $0x1  }
0x1: {  	s0 =	rddreg [dreg:$0x0]  }
0x2: {  	s1 =	rddreg [dreg:$0x1];
	s2 =	simm.s32 $0x0  }
0x3: {  	s14 =	srdreg.scid;
	s3 =	stileid.u32;
	s17 =	simm.s32 $0x320  }
0x4: {  	s18 =	simm.s32 $0x960;
	s19 =	simm.s32 $0x1;
	s20 =	simm.s32 $0xC80  }
0x5: {  	s21 =	simm.s32 $0x12C0;
	s22 =	simm.s32 $0x3;
	s23 =	simm.s32 $0x10  }
0x6: {  	s24 =	simm.s32 $0x200;
	s28 =	simm.s32 $0x44C0;
	s29 =	simm.s32 $0x4  }
0x7: {  	s30 =	simm.s32 $0x5;
	s31 =	simm.s32 $0x6;
	[smem:$0x7FF] =	sst s2  }
0x8: {  	s2 =	sand.u32 $0x1, s14;
	s5 =	sshll.u32 s3, $0x1;
	s4 =	sadd.s32 $0x1E00, s0  }
0x9: {  	s6 =	sadd.s32 $0xDBA00, s0;
	p0 =	sne.s32 s3, $0x0;
	_ =	strace $0x80000047  }
0xa: {  	[dreg:$0x3] =	wrdreg s4;
	s4 =	sadd.s32 $0x87400, s0;
	s8 =	sor.u32 s2, s5  }
0xb: {  	s5 =	sadd.s32 $0x32E00, s0;
	s2 =	ssub.s32 $0x2, s2;
	s12 =	smul.u32 $0x640, s8  }
0xc: {  	s15 =	sshrl.u32 s2, $0x1;
	s7 =	smul.u32 $0xC8000, s8;
	s16 =	sand.u32 $0x7, s8  }
0xd: {  	s0 =	ssub.s32 s2, s15;
	s15 =	sshrl.u32 @!p0 s1, $0x3;
	s25 =	sshrl.u32 s12, $0x3  }
0xe: {  	v0 =	vlaneseq.u32;
	s26 =	sshrl.u32 s7, $0x3;
	s10 =	sadd.s32 $0x63FF0, s7;
	s11 =	sadd.s32 $0x320, s12  }
0xf: {  	v0 =	vmul.u32 $0x8, v0;
	s12 =	sadd.s32 $0x19000, s12;
	s14 =	smax.u32 s0, $0x1;
	s8 =	sadd.s32 s5, s25  }
0x10: {  	s9 =	sadd.s32 s4, s25;
	[dreg:$0x5] =	wrdreg s8;
	s8 =	sadd.s32 s6, s26  }
0x11: {  	v0 =	vadd.s32 $0x186A0, v0;
	s0 =	simm.s32 $0x0;
	[dreg:$0x4] =	wrdreg s9;
	s8 =	sadd.s32 $0xC834, s8  }
0x12: {  	v0 =	vor.u32 s16, v0;
	s25 =	simm.s32 $0x2;
	s26 =	simm.s32 $0xFA0;
	[dreg:$0x6] =	wrdreg s8  }
.LBB2_1:
0x13: {  	s2 =	simm.s32 @!p0 $0x1C07;
	s3 =	rddreg [dreg:$0x3]  }
0x14: {  	[spmem:s15], [sflag:s2] =	dma.local @!p0 [hbm:s3], $0x30E40  }
0x15: {  	s2 =	simm.s32 @!p0 $0x7  }
0x16: {  	_ =	swait.ge @!p0 [sflag:s2], $0x30E40  }
0x17: {  	[sflag:s2] =	ssyncset.done @!p0 $0x0  }
0x18: {  	[sflag:s2] =	ssyncadd.s32 @!p0 $0xFFFCF1C0  }
0x19: {  	[bflag:$0x0] =	sbarrier.arrive $0xFFFF  }
0x1a: {  	s9 =	simm.s32 $0x0;
	s13 =	rddreg [dreg:$0x4]  }
0x1b: {  	[tilespmem:s9], [sflag:$0x1] =	stream.linear.gather [hbm4b:s13+s9], $0x320, $0x38;
	[tilespmem:$0x1FDE0] =	vst v63  }
0x1c: {  	s8 =	simm.s32 $0x640;
	s16 =	rddreg [dreg:$0x5]  }
0x1d: {  	[tilespmem:s8], [sflag:$0x1] =	stream.linear.gather [hbm4b:s16+s9], $0x320, $0x38;
	[tilespmem:$0x1FDE0] =	vst v63  }
0x1e: {  	s16 =	simm.s32 $0x0  }
.LBB2_2:
0x1f: {  	p1 =	seq.s32 s16, $0x0  }
0x20: {  	s2 =	simm.s32 @!p1 $0x4;
	s3 =	sshll.u32 @!p1 s16, $0x4;
	s8 =	simm.s32 @!p1 $0x10  }
0x21: {  	s9 =	simm.s32 @!p1 $0x200;
	_ =	swait.ge @!p1 [sflag:s2], $0x3200;
	s3 =	sadd.s32 @!p1 s3, s10  }
0x22: {  	s13 =	simm.s32 @!p1 $0x44C0;
	[sflag:s2] =	ssyncset.done @!p1 $0x0;
	s3 =	sshrl.u32 @!p1 s3, $0x3  }
0x23: {  	[sflag:s2] =	ssyncadd.s32 @!p1 $0xFFFFCE00;
	s3 =	sadd.s32 @!p1 s6, s3;
	s2 =	smul.u32 $0x19000, s16  }
0x24: {  	[hbm4b:s3+s8] =	stream.strided.scatter @!p1 [tilespmem:s13], [sflag:$0x6], $0x3200, s9, s8, $0x38;
	[tilespmem:$0x1FDE0] =	vst v63  }
0x25: {  	s8 =	sadd.s32 s2, s11  }
0x26: {  	s3 =	sshrl.u32 s8, $0x3  }
0x27: {  	s13 =	simm.s32 $0x0;
	s9 =	sadd.s32 s4, s3  }
0x28: {  	[tilespmem:s17], [sflag:$0x2] =	stream.linear.gather [hbm4b:s9+s13], $0x320, $0x38;
	[tilespmem:$0x1FDE0] =	vst v63  }
0x29: {  	s3 =	sadd.s32 s5, s3  }
0x2a: {  	[tilespmem:s18], [sflag:$0x2] =	stream.linear.gather [hbm4b:s3+s13], $0x320, $0x38;
	[tilespmem:$0x1FDE0] =	vst v63  }
0x2b: {  	_ =	swait.ge [sflag:s19], $0x320  }
0x2c: {  	[sflag:s19] =	ssyncset.done $0x0  }
0x2d: {  	[sflag:s19] =	ssyncadd.s32 $0xFFFFFCE0  }
0x2e: {  	_ =	swait.ge [sflag:s19], $0x320  }
0x2f: {  	[sflag:s19] =	ssyncset.done $0x0  }
0x30: {  	s3 =	simm.s32 $0x0;
	[sflag:s19] =	ssyncadd.s32 $0xFFFFFCE0  }
0x31: {  	v1 =	vld [tilespmem:s3+$0x640]  }
0x32: {  	s8 =	simm.s32 $0x40;
	v2 =	vld [tilespmem:s3+$0x0]  }
.LBB2_3:
0x33: {  	p2 =	sne.s32 s8, $0xC40  }
.Ltmp0:
0x34: {  	_ = 	snop;
	(pc) =	sbr.rel @p2 .LBB2_3-.Ltmp0, $4  }
0x35: {  	_ = 	snop  }
0x36: {  	s9 =	sshra.s32 s8, $0x2;
	s8 =	sadd.s32 $0x40, s8;
	vm0 =	veq.s32 v1, $0x0  }
0x37: {  	v1 =	vld [tilespmem:s9+$0x640];
	v3 =	vsel vm0, v0, v2  }
0x38: {  	v2 =	vld [tilespmem:s9+$0x0];
	[tilespmem:s3+$0xC80] =	vst v3;
	s3 =	smov.u32 s9  }
0x39: {  	_ =	sdelay $0x2  }
0x3a: {  	vm0 =	veq.s32 v1, $0x0  }
0x3b: {  	v1 =	vsel vm0, v0, v2  }
0x3c: {  	[tilespmem:s3+$0xC80] =	vst v1;
	s3 =	simm.s32 @!p1 $0x5  }
0x3d: {  	_ =	swait.ge @!p1 [sflag:s3], $0x3200  }
0x3e: {  	[sflag:s3] =	ssyncset.done @!p1 $0x0  }
0x3f: {  	s13 =	sshll.u32 s16, $0x4;
	[sflag:s3] =	ssyncadd.s32 @!p1 $0xFFFFCE00  }
0x40: {  	[tilespmem:s21], [sflag:$0x3] =	stream.indirect.gather [spmem:s1], $0x10, s20, s17, $0xb8;
	[tilespmem:$0x1FDE0] =	vst v63  }
0x41: {  	p2 =	seq.s32 s16, $0x1A;
	s3 =	sadd.s32 s7, s13;
	_ =	swait.ge [sflag:s22], $0x3200  }
0x42: {  	s2 =	sadd.s32 @!p2 s2, s12;
	s3 =	sshrl.u32 s3, $0x3;
	[sflag:s22] =	ssyncset.done $0x0  }
0x43: {  	s2 =	sshrl.u32 @!p2 s2, $0x3;
	s3 =	sadd.s32 s6, s3;
	[sflag:s22] =	ssyncadd.s32 $0xFFFFCE00  }
0x44: {  	[hbm4b:s3+s23] =	stream.strided.scatter [tilespmem:s21], [sflag:$0x5], $0x3200, s24, s23, $0x38;
	[tilespmem:$0x1FDE0] =	vst v63  }
0x45: {  	s8 =	simm.s32 @!p2 $0x0;
	s3 =	sadd.s32 @!p2 s4, s2  }
0x46: {  	[tilespmem:s8], [sflag:$0x1] =	stream.linear.gather @!p2 [hbm4b:s3+s8], $0x320, $0x38;
	[tilespmem:$0x1FDE0] =	vst v63  }
0x47: {  	s2 =	sadd.s32 @!p2 s5, s2;
	s3 =	simm.s32 @!p2 $0x640  }
0x48: {  	[tilespmem:s3], [sflag:$0x1] =	stream.linear.gather @!p2 [hbm4b:s2+s8], $0x320, $0x38;
	[tilespmem:$0x1FDE0] =	vst v63  }
0x49: {  	_ =	swait.ge [sflag:s25], $0x320  }
0x4a: {  	[sflag:s25] =	ssyncset.done $0x0  }
0x4b: {  	[sflag:s25] =	ssyncadd.s32 $0xFFFFFCE0  }
0x4c: {  	_ =	swait.ge [sflag:s25], $0x320  }
0x4d: {  	[sflag:s25] =	ssyncset.done $0x0  }
0x4e: {  	s2 =	simm.s32 $0x0;
	[sflag:s25] =	ssyncadd.s32 $0xFFFFFCE0  }
0x4f: {  	v1 =	vld [tilespmem:s2+$0x960]  }
0x50: {  	s3 =	simm.s32 $0x40;
	v2 =	vld [tilespmem:s2+$0x320]  }
.LBB2_5:
0x51: {  	p2 =	sne.s32 s3, $0xC40  }
.Ltmp1:
0x52: {  	_ = 	snop;
	(pc) =	sbr.rel @p2 .LBB2_5-.Ltmp1, $4  }
0x53: {  	_ = 	snop  }
0x54: {  	s8 =	sshra.s32 s3, $0x2;
	s3 =	sadd.s32 $0x40, s3;
	vm0 =	veq.s32 v1, $0x0  }
0x55: {  	v1 =	vld [tilespmem:s8+$0x960];
	v3 =	vsel vm0, v0, v2  }
0x56: {  	v2 =	vld [tilespmem:s8+$0x320];
	[tilespmem:s2+$0xFA0] =	vst v3;
	s2 =	smov.u32 s8  }
0x57: {  	_ =	sdelay $0x2  }
0x58: {  	vm0 =	veq.s32 v1, $0x0  }
0x59: {  	v1 =	vsel vm0, v0, v2  }
0x5a: {  	[tilespmem:s2+$0xFA0] =	vst v1;
	s2 =	simm.s32 @!p1 $0x6  }
0x5b: {  	_ =	swait.ge @!p1 [sflag:s2], $0x3200  }
0x5c: {  	s16 =	sadd.s32 $0x1, s16;
	[sflag:s2] =	ssyncset.done @!p1 $0x0  }
0x5d: {  	[sflag:s2] =	ssyncadd.s32 @!p1 $0xFFFFCE00;
	p1 =	sne.s32 s16, $0x1B  }
.Ltmp2:
0x5e: {  	_ = 	snop;
	(pc) =	sbr.rel @p1 .LBB2_2-.Ltmp2, $2  }
0x5f: {  	_ =	sdelay $0x2  }
0x60: {  	[tilespmem:s28], [sflag:$0x4] =	stream.indirect.gather [spmem:s1], $0x10, s26, s17, $0xb8;
	[tilespmem:$0x1FDE0] =	vst v63  }
0x61: {  	_ =	swait.ge [sflag:s29], $0x3200  }
0x62: {  	[sflag:s29] =	ssyncset.done $0x0  }
0x63: {  	s0 =	sadd.s32 $0x1, s0;
	s2 =	rddreg [dreg:$0x6];
	[sflag:s29] =	ssyncadd.s32 $0xFFFFCE00  }
0x64: {  	[hbm4b:s2+s23] =	stream.strided.scatter [tilespmem:s28], [sflag:$0x6], $0x3200, s24, s23, $0x38;
	[tilespmem:$0x1FDE0] =	vst v63  }
0x65: {  	p1 =	sne.s32 s0, s14;
	_ =	swait.ge [sflag:s30], $0x3200  }
.Ltmp3:
0x66: {  	[sflag:s30] =	ssyncset.done $0x0;
	(pc) =	sbr.rel @p1 .LBB2_1-.Ltmp3, $4  }
0x67: {  	[sflag:s30] =	ssyncadd.s32 $0xFFFFCE00  }
0x68: {  	_ =	swait.ge [sflag:s31], $0x3200  }
0x69: {  	[sflag:s31] =	ssyncset.done $0x0  }
0x6a: {  	[sflag:s31] =	ssyncadd.s32 $0xFFFFCE00  }
0x6b: {  	_ =	sfence.sel $0x180000  }
0x6c: {  	[bflag:$0x0] =	sbarrier.arrive $0xFFFF  }
0x6d: {  	_ =	strace $0x90000047  }
0x6e: {  	[bflag:$0x2] =	sbarrier.arrive $0xFFFF  }
0x6f: {  	s0 =	rddreg [dreg:$0x2]  }
0x70: {  	s0 =	sadd.s32 @!p0 $0x100000, s0  }
0x71: {  	[sflag:s0] =	ssyncadd.tile.s32 @!p0 $0x1;
	_ =	shalt  }
.Lfunc_end2:
_tile_overlayer_lowered:
.L_overlay_start_2:
0x72: {  	(tag) =	ssettag $0x2  }
0x73: {  	s0 =	rddreg [dreg:$0x0];
	s2 =	stileid.u32  }
0x74: {  	s1 =	rddreg [dreg:$0x1];
	p0 =	sne.s32 s2, $0x0  }
0x75: {  	s3 =	rddreg [dreg:$0x2];
	[bflag:$0x3] =	sbarrier.arrive $0xFFFF;
	s2 =	simm.s32 @!p0 $0x1C07  }
0x76: {  	[timem:s3], [sflag:s2] =	dma.local @!p0 [hbm:s0], s1  }
0x77: {  	s0 =	simm.s32 @!p0 $0x7  }
0x78: {  	_ =	swait.ge @!p0 [sflag:s0], s1  }
0x79: {  	s1 =	ssub.s32 @!p0 $0x0, s1;
	[sflag:s0] =	ssyncset.done @!p0 $0x0  }
0x7a: {  	[sflag:s0] =	ssyncadd.s32 @!p0 s1  }
0x7b: {  	[bflag:$0x3] =	sbarrier.arrive $0xFFFF  }
0x7c: {  	_ =	shalt  }

// kernel: kernel.9.cloned.1.call-start
scs
__scs_entry_jumppad:
0x0: {  	(pc) =	sbr.rel $0x88, $3  }
0x1: {  	(tag) =	ssettag $0x0;
	lr =	simm.s32 $0x1  }
0x2: {  	[smem:$0x3F9C] =	sst lr;
	_ =	strace $0xD0000000  }
0x3: {  	_ = 	snop  }
0x4: {  	_ = 	snop  }
0x5: {  	_ = 	snop  }
0x6: {  	_ = 	snop  }
0x7: {  	_ = 	snop  }
__scs_overlays_trampoline_lowered:
0x8: {  	[smem:$0x3FAB] =	sst s0  }
0x9: {  	[smem:$0x3FAC] =	sst s1  }
0xa: {  	[smem:$0x3FAD] =	sst s2  }
0xb: {  	[smem:$0x3FAE] =	sst s3  }
0xc: {  	[smem:$0x3FAF] =	sst s4  }
0xd: {  	[smem:$0x3FB0] =	sst s5  }
0xe: {  	[smem:$0x3FB1] =	sst s6  }
0xf: {  	[smem:$0x3FB2] =	sst s7  }
0x10: {  	[smem:$0x3FB3] =	sst s8  }
0x11: {  	[smem:$0x3FB4] =	sst s9;
	s0 =	simm.s32 @!p0 $0x0  }
0x12: {  	s1 =	sld [smem:$0x3F9A];
	s0 =	simm.s32 @p0 $0x1  }
0x13: {  	[smem:$0x3FB5] =	sst s0;
	s0 =	simm.s32 @!p1 $0x0  }
0x14: {  	s2 =	sld [smem:$0x3F99];
	s0 =	simm.s32 @p1 $0x1  }
0x15: {  	[smem:$0x3FB6] =	sst s0;
	s0 =	simm.s32 @!p2 $0x0  }
0x16: {  	s3 =	sld [smem:$0x3FDB];
	s0 =	simm.s32 @p2 $0x1  }
0x17: {  	s4 =	simm.s32 $0x1BF5;
	[smem:$0x3FB8] =	sst s0  }
0x18: {  	s0 =	sld [smem:$0x3F9B];
	_ =	swait.ge [sflag:s4], $0x0  }
0x19: {  	s7 =	sld [smem:$0x3F9C]  }
0x1a: {  	s8 =	sadd.s32 $0xFFFFE003, lr  }
0x1b: {  	s9 =	sadd.s32 $0xFFFFFEF7, lr;
	s5 =	simm.s32 $0xFFFFFFFF;
	p2 =	slt.u32 s8, $0xFFFFF086  }
0x1c: {  	p1 =	slt.u32 s9, $0xF7A;
	s5 =	simm.s32 @!p2 $0x0  }
0x1d: {  	s5 =	simm.s32 @p1 $0x1;
	p0 =	seq.s32 s7, s2  }
0x1e: {  	s7 =	smul.u32 @!p0 $0xF7A, s2;
	p2 =	seq.s32 @!p0 s5, $0x0  }
0x1f: {  	s9 =	smul.u32 $0xF7A, s1;
	s8 =	simm.s32 @!p0 $0x1BF5;
	p2 =	por !p2, p0  }
0x20: {  	[sflag:s8] =	ssyncset.s32 @!p0 $0xFFFFF086;
	s6 =	sadd.s32 @!p0 s3, s7;
	s7 =	simm.s32 @!p0 $0x108  }
0x21: {  	s3 =	sadd.s32 s3, s9;
	s6 =	sadd.s32 @!p0 $0x88, s6;
	s7 =	simm.s32 @p2 $0x1082  }
0x22: {  	[simem:s7], [sflag:s8] =	dma.local @!p0 [hbm:s6], $0xF7A  }
0x23: {  	s9 =	sor.u32 $0xD0000000, s2;
	s6 =	simm.s32 $0x108;
	_ =	swait.ge @!p0 [sflag:s8], $0x0  }
0x24: {  	s3 =	sadd.s32 $0x88, s3;
	s6 =	simm.s32 @!p1 $0x1082;
	[sflag:s4] =	ssyncset.s32 $0xFFFFF086  }
0x25: {  	[simem:s6], [sflag:s4] =	dma.local [hbm:s3], $0xF7A  }
0x26: {  	[smem:$0x3F9C] =	sst s1;
	(tag) =	ssettag s2;
	_ =	strace s9  }
0x27: {  	s1 =	sld [smem:$0x3FAC]  }
0x28: {  	s2 =	sld [smem:$0x3FAD]  }
0x29: {  	s4 =	sld [smem:$0x3FAF]  }
0x2a: {  	p0 =	seq.s32 s5, $0x0;
	s5 =	sld [smem:$0x3FB0]  }
0x2b: {  	s6 =	sld [smem:$0x3FB1]  }
0x2c: {  	s7 =	sld [smem:$0x3FB2]  }
0x2d: {  	s3 =	simm.s32 $0x108;
	s8 =	sld [smem:$0x3FB3]  }
0x2e: {  	s3 =	simm.s32 @!p0 $0x1082;
	s9 =	sld [smem:$0x3FB4]  }
0x2f: {  	lr =	sadd.s32 s0, s3;
	s0 =	sld [smem:$0x3FAB]  }
0x30: {  	s3 =	sld [smem:$0x3FAE]  }
0x31: {  	[smem:$0x3FB7] =	sst s10  }
0x32: {  	s10 =	sld [smem:$0x3FB5];
	_ =	sdelay $0x3  }
0x33: {  	p0 =	seq.s32 s10, $0x1;
	s10 =	sld [smem:$0x3FB7];
	_ =	sdelay $0x3  }
0x34: {  	[smem:$0x3FB7] =	sst s10  }
0x35: {  	s10 =	sld [smem:$0x3FB6];
	_ =	sdelay $0x3  }
0x36: {  	p1 =	seq.s32 s10, $0x1;
	s10 =	sld [smem:$0x3FB7];
	_ =	sdelay $0x3  }
0x37: {  	[smem:$0x3FB7] =	sst s10  }
0x38: {  	s10 =	sld [smem:$0x3FB8]  }
0x39: {  	_ = 	snop;
	(pc) =	sbr.ind lr, $3  }
0x3a: {  	_ = 	snop  }
0x3b: {  	_ = 	snop  }
0x3c: {  	p2 =	seq.s32 s10, $0x1;
	s10 =	sld [smem:$0x3FB7]  }
0x3d: {  	_ =	shalt  }
0x3e: {  	_ =	shalt  }
0x3f: {  	_ =	shalt  }
0x40: {  	_ =	shalt  }
0x41: {  	_ =	shalt  }
0x42: {  	_ =	shalt  }
0x43: {  	_ =	shalt  }
0x44: {  	_ =	shalt  }
0x45: {  	_ =	shalt  }
0x46: {  	_ =	shalt  }
0x47: {  	_ =	shalt  }
0x48: {  	_ =	shalt  }
0x49: {  	_ =	shalt  }
0x4a: {  	_ =	shalt  }
0x4b: {  	_ =	shalt  }
0x4c: {  	_ =	shalt  }
0x4d: {  	_ =	shalt  }
0x4e: {  	_ =	shalt  }
0x4f: {  	_ =	shalt  }
0x50: {  	_ =	shalt  }
0x51: {  	_ =	shalt  }
0x52: {  	_ =	shalt  }
0x53: {  	_ =	shalt  }
0x54: {  	_ =	shalt  }
0x55: {  	_ =	shalt  }
0x56: {  	_ =	shalt  }
0x57: {  	_ =	shalt  }
0x58: {  	_ =	shalt  }
0x59: {  	_ =	shalt  }
0x5a: {  	_ =	shalt  }
0x5b: {  	_ =	shalt  }
0x5c: {  	_ =	shalt  }
0x5d: {  	_ =	shalt  }
0x5e: {  	_ =	shalt  }
0x5f: {  	_ =	shalt  }
0x60: {  	_ =	shalt  }
0x61: {  	_ =	shalt  }
0x62: {  	_ =	shalt  }
0x63: {  	_ =	shalt  }
0x64: {  	_ =	shalt  }
0x65: {  	_ =	shalt  }
0x66: {  	_ =	shalt  }
0x67: {  	_ =	shalt  }
0x68: {  	_ =	shalt  }
0x69: {  	_ =	shalt  }
0x6a: {  	_ =	shalt  }
0x6b: {  	_ =	shalt  }
0x6c: {  	_ =	shalt  }
0x6d: {  	_ =	shalt  }
0x6e: {  	_ =	shalt  }
0x6f: {  	_ =	shalt  }
0x70: {  	_ =	shalt  }
0x71: {  	_ =	shalt  }
0x72: {  	_ =	shalt  }
0x73: {  	_ =	shalt  }
0x74: {  	_ =	shalt  }
0x75: {  	_ =	shalt  }
0x76: {  	_ =	shalt  }
0x77: {  	_ =	shalt  }
0x78: {  	_ =	shalt  }
0x79: {  	_ =	shalt  }
0x7a: {  	_ =	shalt  }
0x7b: {  	_ =	shalt  }
0x7c: {  	_ =	shalt  }
0x7d: {  	_ =	shalt  }
0x7e: {  	_ =	shalt  }
0x7f: {  	_ =	shalt  }
0x80: {  	_ =	shalt  }
0x81: {  	_ =	shalt  }
0x82: {  	_ =	shalt  }
0x83: {  	_ =	shalt  }
0x84: {  	_ =	shalt  }
0x85: {  	_ =	shalt  }
0x86: {  	_ =	shalt  }
0x87: {  	_ =	shalt  }
.Lfunc_end0:
.L_simem_size_0:
called_computation.1_lowered:
.L_overlay_start_0:
0x88: {  	s2 =	sld [smem:$0x3FD9]  }
0x89: {  	s3 =	sld [smem:$0x3FFE];
	_ =	sdelay $0x1  }
0x8a: {  	s1 =	srdreg.scid  }
0x8b: {  	s0 =	sand.u32 $0x1, s1  }
0x8c: {  	s17 =	sshll.u32 s0, $0xA;
	s2 =	sadd.s32 s3, s2  }
0x8d: {  	s2 =	sadd.s32 s2, s17  }
0x8e: {  	[smem:$0x3FC3] =	sst s2  }
0x8f: {  	_ = 	snop  }
0x90: {  	(tm) =	ssettm $0x1  }
0x91: {  	s18 =	sld [smem:$0x3FFB];
	_ =	sdelay $0x3  }
0x92: {  	_ =	strace s18  }
0x93: {  	s2 =	sld [smem:$0x3FFC];
	_ =	sdelay $0x3  }
0x94: {  	_ =	strace s2  }
0x95: {  	s2 =	sld [smem:$0x3FFD];
	_ =	sdelay $0x3  }
0x96: {  	_ =	strace s2  }
0x97: {  	_ =	strace $0x8FFFFFFF  }
0x98: {  	s19 =	sld [smem:$0x3FDB];
	_ =	sdelay $0x1  }
0x99: {  	s20 =	simm.s32 $_scs_section_size  }
0x9a: {  	s4 =	simm.s32 $_size__tile_overlayer_lowered;
	s5 =	simm.s32 $_tile_overlayer_lowered  }
0x9b: {  	s6 =	simm.s32 $0x1BFF;
	s21 =	sshll.u32 s5, $0x1;
	s3 =	sadd.s32 s20, s19  }
0x9c: {  	s22 =	simm.s32 $0x0;
	s4 =	sshll.u32 s4, $0x1;
	s5 =	sadd.s32 s21, s3  }
0x9d: {  	[timem:s22], [sflag:s6] =	dma.local [hbm:s5], s4  }
0x9e: {  	_ =	swait.ge [sflag:s6], s4  }
0x9f: {  	s4 =	ssub.s32 $0x0, s4;
	[sflag:s6] =	ssyncset.done $0x0  }
0xa0: {  	[sflag:s6] =	ssyncadd.s32 s4;
	_ =	sdelay $0x1  }
0xa1: {  	s23 =	simm.s32 $0x1B8B  }
0xa2: {  	_ =	swait.ge [sflag:s23], $0x1  }
0xa3: {  	[sflag:s23] =	ssyncset.done $0x0  }
0xa4: {  	[sflag:s23] =	ssyncadd.s32 $0xFFFFFFFF  }
0xa5: {  	s4 =	sld [smem:$0x0]  }
0xa6: {  	s5 =	sand.u32 $0xFFFFFFFE, s1  }
0xa7: {  	p0 =	sne.s32 s1, s5  }
0xa8: {  	s5 =	sshll.u32 @p0 s5, $0xE  }
0xa9: {  	s5 =	sadd.s32 @p0 $0x11B8D, s5;
	s6 =	sshll.u32 @p0 s4, $0x11  }
0xaa: {  	s5 =	sor.u32 @p0 s6, s5  }
0xab: {  	[sflag:s5] =	ssyncadd.remote.s32 @p0 $0x1;
	_ =	sdelay $0x1  }
0xac: {  	s5 =	simm.s32 @p0 $0x1B8D  }
0xad: {  	_ =	swait.eq @p0 [sflag:s5], $0x1  }
0xae: {  	[sflag:s5] =	ssyncadd.s32 @p0 $0xFFFFFFFF  }
0xaf: {  	s6 =	sshll.u32 @!p0 s1, $0xE  }
0xb0: {  	s6 =	sor.u32 @!p0 $0x4000, s6;
	s5 =	simm.s32 @!p0 $0x1B8D  }
0xb1: {  	s4 =	sshll.u32 @!p0 s4, $0x11;
	s6 =	sadd.s32 @!p0 $0x11B8D, s6;
	_ =	swait.eq @!p0 [sflag:s5], $0x1  }
0xb2: {  	s4 =	sor.u32 @!p0 s4, s6;
	[sflag:s5] =	ssyncadd.s32 @!p0 $0xFFFFFFFF  }
0xb3: {  	s25 =	simm.s32 $0x1B8E;
	s24 =	sld [smem:$0x3FFE];
	[sflag:s4] =	ssyncadd.remote.s32 @!p0 $0x1  }
0xb4: {  	s26 =	simm.s32 $execute0_lowered;
	[smem:$0x3FD2] =	sst s25  }
0xb5: {  	s5 =	sshll.u32 s26, $0x1;
	_ =	strace $0x80000049;
	[dreg:$0x1] =	wrdreg $0xFFFFFFFF  }
0xb6: {  	s28 =	simm.s32 $_size_execute0_lowered;
	s3 =	sadd.s32 s3, s5;
	[dreg:$0x0] =	wrdreg $0x0  }
0xb7: {  	s5 =	sshll.u32 s28, $0x1;
	[dreg:$0x2] =	wrdreg s3  }
0xb8: {  	[dreg:$0x3] =	wrdreg s5  }
0xb9: {  	[dreg:$0x4] =	wrdreg $0xC0  }
0xba: {  	_ =	task [dreg:s22], $0x5FFFF  }
0xbb: {  	[dreg:$0x1] =	wrdreg $0xFFFFFFFF  }
0xbc: {  	[dreg:$0x0] =	wrdreg $0x60  }
0xbd: {  	[dreg:$0x2] =	wrdreg s24  }
0xbe: {  	[dreg:$0x3] =	wrdreg $0x76C00  }
0xbf: {  	[dreg:$0x4] =	wrdreg $0xA  }
0xc0: {  	_ =	task.clear_ibuf [dreg:s22], $0x5FFFF;
	_ =	strace $0x90000049  }
0xc1: {  	s29 =	simm.s32 $0xA;
	_ =	strace $0x8000004B  }
0xc2: {  	_ =	swait.ge [sflag:s29], $0x1  }
0xc3: {  	[sflag:s29] =	ssyncadd.s32 $0xFFFFFFFF  }
0xc4: {  	_ =	strace $0x9000004B  }
0xc5: {  	_ =	sfence  }
0xc6: {  	s30 =	sld [smem:$0x0];
	_ =	sdelay $0x2  }
0xc7: {  	s31 =	sshll.u32 s1, $0xD;
	s1 =	sshrl.u32 s1, $0x2  }
0xc8: {  	s4 =	sand.u32 $0x4000, s31;
	s1 =	sadd.s32 s1, s30  }
0xc9: {  	s0 =	sor.u32 s4, s0;
	s1 =	sshll.u32 s1, $0x11  }
0xca: {  	s0 =	sor.u32 s1, s0  }
0xcb: {  	s0 =	sadd.s32 $0x8F2B, s0  }
0xcc: {  	[sflag:s0] =	ssyncadd.remote.s32 $0x1  }
0xcd: {  	_ =	sfence.sel $0xFFFF  }
0xce: {  	[dreg:$0x0] =	wrdreg $0xFFFFFFFF;
	(pc) =	sbr.abs _section_cstart, $3  }
0xcf: {  	[dreg:$0x1] =	wrdreg $0xFFFFFFFF  }
0xd0: {  	_ =	task.clear_ibuf [dreg:s22], $0x2FFFF;
	_ =	strace $0x9FFFFFFF  }
0xd1: {  	(tm) =	ssettm $0x7FFFFFFF  }
tec
execute0_lowered:
.L_overlay_start_1:
0x0: {  	(tag) =	ssettag $0x1  }
0x1: {  	s0 =	rddreg [dreg:$0x0]  }
0x2: {  	s1 =	rddreg [dreg:$0x1];
	s4 =	simm.s32 $0x0;
	s2 =	srdreg.scid  }
0x3: {  	s3 =	stileid.u32;
	s17 =	simm.s32 $0x320;
	s18 =	simm.s32 $0x960  }
0x4: {  	s19 =	simm.s32 $0x1;
	s20 =	simm.s32 $0xC80;
	s21 =	simm.s32 $0x12C0  }
0x5: {  	s22 =	simm.s32 $0x3;
	s23 =	simm.s32 $0x10;
	s24 =	simm.s32 $0x200  }
0x6: {  	s28 =	simm.s32 $0x44C0;
	s29 =	simm.s32 $0x4;
	s30 =	simm.s32 $0x5  }
0x7: {  	s31 =	simm.s32 $0x6;
	[smem:$0x7FF] =	sst s4;
	s2 =	sand.u32 $0x1, s2  }
0x8: {  	s13 =	sshll.u32 s3, $0x1;
	s14 =	sadd.s32 $0x1E00, s0;
	s4 =	sadd.s32 $0x87400, s0  }
0x9: {  	s5 =	sadd.s32 $0x32E00, s0;
	s6 =	sadd.s32 $0x3FBA00, s0;
	s8 =	sor.u32 s2, s13  }
0xa: {  	p0 =	sne.s32 s3, $0x0;
	s15 =	ssub.s32 $0x2, s2;
	s12 =	smul.u32 $0x640, s8  }
0xb: {  	_ =	strace $0x8000004A;
	s2 =	sshrl.u32 s15, $0x1;
	s7 =	smul.u32 $0xC8000, s8  }
0xc: {  	[dreg:$0x3] =	wrdreg s14;
	s16 =	sand.u32 $0x7, s8;
	s0 =	ssub.s32 s15, s2  }
0xd: {  	s15 =	sshrl.u32 @!p0 s1, $0x3;
	s9 =	sshrl.u32 s12, $0x3;
	s26 =	sshrl.u32 s7, $0x3  }
0xe: {  	v0 =	vlaneseq.u32;
	s10 =	sadd.s32 $0x63FF0, s7;
	s11 =	sadd.s32 $0xCB20, s12;
	s25 =	sadd.s32 $0x1900, s9  }
0xf: {  	v0 =	vmul.u32 $0x8, v0;
	s12 =	sadd.s32 $0x25800, s12;
	s14 =	smax.u32 s0, $0x1;
	s8 =	sadd.s32 s5, s25  }
0x10: {  	s9 =	sadd.s32 s4, s25;
	[dreg:$0x5] =	wrdreg s8;
	s8 =	sadd.s32 s6, s26  }
0x11: {  	v0 =	vadd.s32 $0x186A0, v0;
	s0 =	simm.s32 $0x0;
	[dreg:$0x4] =	wrdreg s9;
	s8 =	sadd.s32 $0xC834, s8  }
0x12: {  	v0 =	vor.u32 s16, v0;
	s25 =	simm.s32 $0x2;
	s26 =	simm.s32 $0xFA0;
	[dreg:$0x6] =	wrdreg s8  }
.LBB2_1:
0x13: {  	s2 =	simm.s32 @!p0 $0x1C07;
	s3 =	rddreg [dreg:$0x3]  }
0x14: {  	[spmem:s15], [sflag:s2] =	dma.local @!p0 [hbm:s3], $0x30E40  }
0x15: {  	s2 =	simm.s32 @!p0 $0x7  }
0x16: {  	_ =	swait.ge @!p0 [sflag:s2], $0x30E40  }
0x17: {  	[sflag:s2] =	ssyncset.done @!p0 $0x0  }
0x18: {  	[sflag:s2] =	ssyncadd.s32 @!p0 $0xFFFCF1C0  }
0x19: {  	[bflag:$0x0] =	sbarrier.arrive $0xFFFF  }
0x1a: {  	s9 =	simm.s32 $0x0;
	s13 =	rddreg [dreg:$0x4]  }
0x1b: {  	[tilespmem:s9], [sflag:$0x1] =	stream.linear.gather [hbm4b:s13+s9], $0x320, $0x38;
	[tilespmem:$0x1FDE0] =	vst v63  }
0x1c: {  	s8 =	simm.s32 $0x640;
	s16 =	rddreg [dreg:$0x5]  }
0x1d: {  	[tilespmem:s8], [sflag:$0x1] =	stream.linear.gather [hbm4b:s16+s9], $0x320, $0x38;
	[tilespmem:$0x1FDE0] =	vst v63  }
0x1e: {  	s16 =	simm.s32 $0x0  }
.LBB2_2:
0x1f: {  	p1 =	seq.s32 s16, $0x0  }
0x20: {  	s2 =	simm.s32 @!p1 $0x4;
	s3 =	sshll.u32 @!p1 s16, $0x4;
	s8 =	simm.s32 @!p1 $0x10  }
0x21: {  	s9 =	simm.s32 @!p1 $0x200;
	_ =	swait.ge @!p1 [sflag:s2], $0x3200;
	s3 =	sadd.s32 @!p1 s3, s10  }
0x22: {  	s13 =	simm.s32 @!p1 $0x44C0;
	[sflag:s2] =	ssyncset.done @!p1 $0x0;
	s3 =	sshrl.u32 @!p1 s3, $0x3  }
0x23: {  	[sflag:s2] =	ssyncadd.s32 @!p1 $0xFFFFCE00;
	s3 =	sadd.s32 @!p1 s6, s3;
	s2 =	smul.u32 $0x19000, s16  }
0x24: {  	[hbm4b:s3+s8] =	stream.strided.scatter @!p1 [tilespmem:s13], [sflag:$0x6], $0x3200, s9, s8, $0x38;
	[tilespmem:$0x1FDE0] =	vst v63  }
0x25: {  	s8 =	sadd.s32 s2, s11  }
0x26: {  	s3 =	sshrl.u32 s8, $0x3  }
0x27: {  	s13 =	simm.s32 $0x0;
	s9 =	sadd.s32 s4, s3  }
0x28: {  	[tilespmem:s17], [sflag:$0x2] =	stream.linear.gather [hbm4b:s9+s13], $0x320, $0x38;
	[tilespmem:$0x1FDE0] =	vst v63  }
0x29: {  	s3 =	sadd.s32 s5, s3  }
0x2a: {  	[tilespmem:s18], [sflag:$0x2] =	stream.linear.gather [hbm4b:s3+s13], $0x320, $0x38;
	[tilespmem:$0x1FDE0] =	vst v63  }
0x2b: {  	_ =	swait.ge [sflag:s19], $0x320  }
0x2c: {  	[sflag:s19] =	ssyncset.done $0x0  }
0x2d: {  	[sflag:s19] =	ssyncadd.s32 $0xFFFFFCE0  }
0x2e: {  	_ =	swait.ge [sflag:s19], $0x320  }
0x2f: {  	[sflag:s19] =	ssyncset.done $0x0  }
0x30: {  	s3 =	simm.s32 $0x0;
	[sflag:s19] =	ssyncadd.s32 $0xFFFFFCE0  }
0x31: {  	v1 =	vld [tilespmem:s3+$0x640]  }
0x32: {  	s8 =	simm.s32 $0x40;
	v2 =	vld [tilespmem:s3+$0x0]  }
.LBB2_3:
0x33: {  	p2 =	sne.s32 s8, $0xC40  }
.Ltmp0:
0x34: {  	_ = 	snop;
	(pc) =	sbr.rel @p2 .LBB2_3-.Ltmp0, $4  }
0x35: {  	_ = 	snop  }
0x36: {  	s9 =	sshra.s32 s8, $0x2;
	s8 =	sadd.s32 $0x40, s8;
	vm0 =	veq.s32 v1, $0x0  }
0x37: {  	v1 =	vld [tilespmem:s9+$0x640];
	v3 =	vsel vm0, v0, v2  }
0x38: {  	v2 =	vld [tilespmem:s9+$0x0];
	[tilespmem:s3+$0xC80] =	vst v3;
	s3 =	smov.u32 s9  }
0x39: {  	_ =	sdelay $0x2  }
0x3a: {  	vm0 =	veq.s32 v1, $0x0  }
0x3b: {  	v1 =	vsel vm0, v0, v2  }
0x3c: {  	[tilespmem:s3+$0xC80] =	vst v1;
	s3 =	simm.s32 @!p1 $0x5  }
0x3d: {  	_ =	swait.ge @!p1 [sflag:s3], $0x3200  }
0x3e: {  	[sflag:s3] =	ssyncset.done @!p1 $0x0  }
0x3f: {  	s13 =	sshll.u32 s16, $0x4;
	[sflag:s3] =	ssyncadd.s32 @!p1 $0xFFFFCE00  }
0x40: {  	[tilespmem:s21], [sflag:$0x3] =	stream.indirect.gather [spmem:s1], $0x10, s20, s17, $0xb8;
	[tilespmem:$0x1FDE0] =	vst v63  }
0x41: {  	p2 =	seq.s32 s16, $0x1A;
	s3 =	sadd.s32 s7, s13;
	_ =	swait.ge [sflag:s22], $0x3200  }
0x42: {  	s2 =	sadd.s32 @!p2 s2, s12;
	s3 =	sshrl.u32 s3, $0x3;
	[sflag:s22] =	ssyncset.done $0x0  }
0x43: {  	s2 =	sshrl.u32 @!p2 s2, $0x3;
	s3 =	sadd.s32 s6, s3;
	[sflag:s22] =	ssyncadd.s32 $0xFFFFCE00  }
0x44: {  	[hbm4b:s3+s23] =	stream.strided.scatter [tilespmem:s21], [sflag:$0x5], $0x3200, s24, s23, $0x38;
	[tilespmem:$0x1FDE0] =	vst v63  }
0x45: {  	s8 =	simm.s32 @!p2 $0x0;
	s3 =	sadd.s32 @!p2 s4, s2  }
0x46: {  	[tilespmem:s8], [sflag:$0x1] =	stream.linear.gather @!p2 [hbm4b:s3+s8], $0x320, $0x38;
	[tilespmem:$0x1FDE0] =	vst v63  }
0x47: {  	s2 =	sadd.s32 @!p2 s5, s2;
	s3 =	simm.s32 @!p2 $0x640  }
0x48: {  	[tilespmem:s3], [sflag:$0x1] =	stream.linear.gather @!p2 [hbm4b:s2+s8], $0x320, $0x38;
	[tilespmem:$0x1FDE0] =	vst v63  }
0x49: {  	_ =	swait.ge [sflag:s25], $0x320  }
0x4a: {  	[sflag:s25] =	ssyncset.done $0x0  }
0x4b: {  	[sflag:s25] =	ssyncadd.s32 $0xFFFFFCE0  }
0x4c: {  	_ =	swait.ge [sflag:s25], $0x320  }
0x4d: {  	[sflag:s25] =	ssyncset.done $0x0  }
0x4e: {  	s2 =	simm.s32 $0x0;
	[sflag:s25] =	ssyncadd.s32 $0xFFFFFCE0  }
0x4f: {  	v1 =	vld [tilespmem:s2+$0x960]  }
0x50: {  	s3 =	simm.s32 $0x40;
	v2 =	vld [tilespmem:s2+$0x320]  }
.LBB2_5:
0x51: {  	p2 =	sne.s32 s3, $0xC40  }
.Ltmp1:
0x52: {  	_ = 	snop;
	(pc) =	sbr.rel @p2 .LBB2_5-.Ltmp1, $4  }
0x53: {  	_ = 	snop  }
0x54: {  	s8 =	sshra.s32 s3, $0x2;
	s3 =	sadd.s32 $0x40, s3;
	vm0 =	veq.s32 v1, $0x0  }
0x55: {  	v1 =	vld [tilespmem:s8+$0x960];
	v3 =	vsel vm0, v0, v2  }
0x56: {  	v2 =	vld [tilespmem:s8+$0x320];
	[tilespmem:s2+$0xFA0] =	vst v3;
	s2 =	smov.u32 s8  }
0x57: {  	_ =	sdelay $0x2  }
0x58: {  	vm0 =	veq.s32 v1, $0x0  }
0x59: {  	v1 =	vsel vm0, v0, v2  }
0x5a: {  	[tilespmem:s2+$0xFA0] =	vst v1;
	s2 =	simm.s32 @!p1 $0x6  }
0x5b: {  	_ =	swait.ge @!p1 [sflag:s2], $0x3200  }
0x5c: {  	s16 =	sadd.s32 $0x1, s16;
	[sflag:s2] =	ssyncset.done @!p1 $0x0  }
0x5d: {  	[sflag:s2] =	ssyncadd.s32 @!p1 $0xFFFFCE00;
	p1 =	sne.s32 s16, $0x1B  }
.Ltmp2:
0x5e: {  	_ = 	snop;
	(pc) =	sbr.rel @p1 .LBB2_2-.Ltmp2, $2  }
0x5f: {  	_ =	sdelay $0x2  }
0x60: {  	[tilespmem:s28], [sflag:$0x4] =	stream.indirect.gather [spmem:s1], $0x10, s26, s17, $0xb8;
	[tilespmem:$0x1FDE0] =	vst v63  }
0x61: {  	_ =	swait.ge [sflag:s29], $0x3200  }
0x62: {  	[sflag:s29] =	ssyncset.done $0x0  }
0x63: {  	s0 =	sadd.s32 $0x1, s0;
	s2 =	rddreg [dreg:$0x6];
	[sflag:s29] =	ssyncadd.s32 $0xFFFFCE00  }
0x64: {  	[hbm4b:s2+s23] =	stream.strided.scatter [tilespmem:s28], [sflag:$0x6], $0x3200, s24, s23, $0x38;
	[tilespmem:$0x1FDE0] =	vst v63  }
0x65: {  	p1 =	sne.s32 s0, s14;
	_ =	swait.ge [sflag:s30], $0x3200  }
.Ltmp3:
0x66: {  	[sflag:s30] =	ssyncset.done $0x0;
	(pc) =	sbr.rel @p1 .LBB2_1-.Ltmp3, $4  }
0x67: {  	[sflag:s30] =	ssyncadd.s32 $0xFFFFCE00  }
0x68: {  	_ =	swait.ge [sflag:s31], $0x3200  }
0x69: {  	[sflag:s31] =	ssyncset.done $0x0  }
0x6a: {  	[sflag:s31] =	ssyncadd.s32 $0xFFFFCE00  }
0x6b: {  	_ =	sfence.sel $0x180000  }
0x6c: {  	[bflag:$0x0] =	sbarrier.arrive $0xFFFF  }
0x6d: {  	_ =	strace $0x9000004A  }
0x6e: {  	[bflag:$0x2] =	sbarrier.arrive $0xFFFF  }
0x6f: {  	s0 =	rddreg [dreg:$0x2]  }
0x70: {  	s0 =	sadd.s32 @!p0 $0x100000, s0  }
0x71: {  	[sflag:s0] =	ssyncadd.tile.s32 @!p0 $0x1;
	_ =	shalt  }
.Lfunc_end2:
_tile_overlayer_lowered:
.L_overlay_start_2:
0x72: {  	(tag) =	ssettag $0x2  }
0x73: {  	s0 =	rddreg [dreg:$0x0];
	s2 =	stileid.u32  }
0x74: {  	s1 =	rddreg [dreg:$0x1];
	p0 =	sne.s32 s2, $0x0  }
0x75: {  	s3 =	rddreg [dreg:$0x2];
	[bflag:$0x3] =	sbarrier.arrive $0xFFFF;
	s2 =	simm.s32 @!p0 $0x1C07  }
0x76: {  	[timem:s3], [sflag:s2] =	dma.local @!p0 [hbm:s0], s1  }
0x77: {  	s0 =	simm.s32 @!p0 $0x7  }
0x78: {  	_ =	swait.ge @!p0 [sflag:s0], s1  }
0x79: {  	s1 =	ssub.s32 @!p0 $0x0, s1;
	[sflag:s0] =	ssyncset.done @!p0 $0x0  }
0x7a: {  	[sflag:s0] =	ssyncadd.s32 @!p0 s1  }
0x7b: {  	[bflag:$0x3] =	sbarrier.arrive $0xFFFF  }
0x7c: {  	_ =	shalt  }

</sc_bundles>
